<compile_context>
chip_gen: v7x
topology: tpu7x:2x2x1
jax: 0.10.2.dev20260603
libtpu: 0.0.44.dev20260713+nightly
codegen_flags: <defaults>
</compile_context>

<pallas_src>
import functools
import math

import jax
import jax.numpy as jnp
from jax import lax
from jax.experimental import pallas as pl
from jax.experimental.pallas import tpu as pltpu
from jax.experimental.pallas import tpu_sc as plsc

D_MODEL = 64
SCALE = math.sqrt(D_MODEL)
CH = 128
RING = 4
AHEAD = 2


@functools.cache
def _build(B, NC, NS):
    NW = NC * NS
    BPW = B // NW
    NCHUNK = BPW // CH
    NGROUP = NCHUNK // RING

    mesh = plsc.VectorSubcoreMesh(core_axis_name="c", subcore_axis_name="s")

    @functools.partial(
        pl.kernel,
        mesh=mesh,
        compiler_params=pltpu.CompilerParams(use_tc_tiling_on_sc=False),
        out_type=jax.ShapeDtypeStruct((B, D_MODEL), jnp.float32),
        scratch_types=[
            pltpu.VMEM((NCHUNK, CH), jnp.int32),
            pltpu.VMEM((RING, CH, D_MODEL), jnp.float32),
            pltpu.SemaphoreType.DMA((RING,)),
            pltpu.SemaphoreType.DMA((RING,)),
        ],
    )
    def k(x_hbm, table_hbm, out_hbm, idx_v, rows_v, gsem, osem):
        wid = lax.axis_index("s") * NC + lax.axis_index("c")
        base = wid * BPW
        pltpu.sync_copy(x_hbm.at[pl.ds(wid * NCHUNK, NCHUNK)], idx_v)

        def gather_start(c, slot):
            pltpu.make_async_copy(
                table_hbm.at[idx_v.at[c]], rows_v.at[slot], gsem.at[slot]
            ).start()

        def gather_wait(c, slot):
            pltpu.make_async_copy(
                table_hbm.at[idx_v.at[c]], rows_v.at[slot], gsem.at[slot]
            ).wait()

        def out_copy(c, slot):
            return pltpu.make_async_copy(
                rows_v.at[slot], out_hbm.at[pl.ds(base + c * CH, CH)],
                osem.at[slot],
            )

        for b in range(AHEAD):
            gather_start(b, b)

        def group_body(g, carry):
            for b in range(RING):
                c = g * RING + b
                c2 = c + AHEAD
                slot2 = (b + AHEAD) % RING

                @pl.when(c2 < NCHUNK)
                def _issue():
                    @pl.when(c2 >= RING)
                    def _drain():
                        out_copy(c2 - RING, slot2).wait()

                    gather_start(c2, slot2)

                gather_wait(c, b)

                def scale_row(r, carry2):
                    for j in range(D_MODEL // 16):
                        sl = pl.ds(j * 16, 16)
                        rows_v[b, r, sl] = rows_v[b, r, sl] * SCALE
                    return carry2

                lax.fori_loop(0, CH, scale_row, 0)
                out_copy(c, b).start()
            return carry

        lax.fori_loop(0, NGROUP, group_body, 0)

        for b in range(RING):
            out_copy(NCHUNK - RING + b, b).wait()

    return k


def kernel(x, table):
    S0, S1 = x.shape
    B = S0 * S1
    info = plsc.get_sparse_core_info()
    NC, NS = info.num_cores, info.num_subcores
    x2 = x.reshape(B // CH, CH).astype(jnp.int32)
    out = _build(B, NC, NS)(x2, table)
    return out.reshape(S0, S1, D_MODEL)

# --- scband reference (transcript-rebuilt; emitter-appended) ---
"""Pipeline reference for scband-input-embeddings-4913442586966 (READ-ONLY COPY).

The authoritative reference and input builder live on the scoring server;
editing this copy changes nothing except your own understanding.
"""

import math
import jax, jax.numpy as jnp
import numpy as np

D_MODEL = 64
VOCAB_SIZE = 1000000

def setup_inputs(seed: int = 0) -> dict:
    key = jax.random.key(seed)
    k_idx, k_tab = jax.random.split(key)
    x = jax.random.randint(k_idx, (4096, 200), 0, VOCAB_SIZE, dtype=jnp.int64 if jax.config.jax_enable_x64 else jnp.int32)
    table = jax.random.normal(k_tab, (VOCAB_SIZE, D_MODEL), dtype=jnp.float32)
    return {"x": x, "table": table}

def reference(x, table):
    # embedding lookup + sqrt(d_model) scaling
    emb = jnp.take(table, x, axis=0)
    return emb * math.sqrt(D_MODEL)

if __name__ == "__main__":
    import jax
    _d = setup_inputs()
    print(jax.jit(kernel)(*tuple(_d.values())))

</pallas_src>

<mosaic_0001>
#map = affine_map<(d0, d1) -> (0, 0)>
module attributes {stable_mosaic.version = 14 : i64} {
  func.func @k(%arg0: i32, %arg1: i32, %arg2: memref<6400x128xi32, #tpu.memory_space<hbm>>, %arg3: memref<1000000x64xf32, #tpu.memory_space<hbm>>, %arg4: memref<819200x64xf32, #tpu.memory_space<hbm>>, %arg5: memref<200x128xi32, #tpu.memory_space<vmem>>, %arg6: memref<4x128x64xf32, #tpu.memory_space<vmem>>, %arg7: memref<4x!tpu.dma_semaphore, #tpu.memory_space<semaphore_mem>>, %arg8: memref<4x!tpu.dma_semaphore, #tpu.memory_space<semaphore_mem>>) attributes {dimension_semantics = [#tpu.dimension_semantics<core_parallel>, #tpu.dimension_semantics<subcore_parallel>], iteration_bounds = array<i64: 2, 16>, scalar_prefetch = 0 : i64, scratch_operands = 4 : i64, tpu.core_type = #tpu.core_type<sc_vector_subcore>, window_params = [{transform_indices = #map}, {transform_indices = #map}, {transform_indices = #map}]} {
    %mul3A = arith.constant 2 : i32
    %mul3A_0 = arith.muli %arg1, %mul3A : i32
    %add3A = arith.addi %mul3A_0, %arg0 : i32
    %mul3A_1 = arith.constant 25600 : i32
    %mul3A_2 = arith.muli %add3A, %mul3A_1 : i32
    %mul3A_3 = arith.constant 200 : i32
    %mul3A_4 = arith.muli %add3A, %mul3A_3 : i32
    "tpu.region"() ({
      %run_scoped3A = tpu.sem_alloc : memref<!tpu.dma_semaphore, #tpu.memory_space<semaphore_mem>>
      %dma_start3A_110 = arith.constant 0 : i32
      %dma_start3A_111 = tpu.memref_slice %arg2[%mul3A_4, %dma_start3A_110] : memref<6400x128xi32, #tpu.memory_space<hbm>> -> memref<200x128xi32, #tpu.memory_space<hbm>>
      %dma_start3A_112 = arith.constant 0 : i32
      %dma_start3A_113 = tpu.memref_slice %arg2[%mul3A_4, %dma_start3A_112] : memref<6400x128xi32, #tpu.memory_space<hbm>> -> memref<200x128xi32, #tpu.memory_space<hbm>>
      tpu.enqueue_dma source(%dma_start3A_113 : memref<200x128xi32, #tpu.memory_space<hbm>>) target(%arg5 : memref<200x128xi32, #tpu.memory_space<vmem>>) target_semaphore(%run_scoped3A : memref<!tpu.dma_semaphore, #tpu.memory_space<semaphore_mem>>)
      %dma_wait3A_114 = arith.constant 0 : i32
      %dma_wait3A_115 = tpu.memref_slice %arg2[%mul3A_4, %dma_wait3A_114] : memref<6400x128xi32, #tpu.memory_space<hbm>> -> memref<200x128xi32, #tpu.memory_space<hbm>>
      %dma_wait3A_116 = arith.constant 0 : i32
      %dma_wait3A_117 = tpu.memref_slice %arg2[%mul3A_4, %dma_wait3A_116] : memref<6400x128xi32, #tpu.memory_space<hbm>> -> memref<200x128xi32, #tpu.memory_space<hbm>>
      tpu.wait_dma2 semaphore(%run_scoped3A : memref<!tpu.dma_semaphore, #tpu.memory_space<semaphore_mem>>) src(%dma_wait3A_117 : memref<200x128xi32, #tpu.memory_space<hbm>>) dst(%arg5 : memref<200x128xi32, #tpu.memory_space<vmem>>)
      tpu.yield
    }) : () -> ()
    %dma_start3A = arith.constant 0 : i32
    %dma_start3A_5 = arith.constant 0 : i32
    %dma_start3A_6 = arith.constant 0 : i32
    %dma_start3A_7 = arith.constant 0 : i32
    %dma_start3A_8 = arith.constant 0 : i32
    %dma_start3A_9 = tpu.memref_slice %arg6[%dma_start3A_5, %dma_start3A_7, %dma_start3A_8] : memref<4x128x64xf32, #tpu.memory_space<vmem>> -> memref<1x128x64xf32, #tpu.memory_space<vmem>>
    %dma_start3A_10 = tpu.memref_squeeze %dma_start3A_9 : memref<1x128x64xf32, #tpu.memory_space<vmem>> -> memref<128x64xf32, #tpu.memory_space<vmem>>
    %dma_start3A_11 = arith.constant 0 : i32
    %dma_start3A_12 = tpu.memref_slice %arg5[%dma_start3A, %dma_start3A_11] : memref<200x128xi32, #tpu.memory_space<vmem>> -> memref<1x128xi32, #tpu.memory_space<vmem>>
    %dma_start3A_13 = tpu.memref_squeeze %dma_start3A_12 : memref<1x128xi32, #tpu.memory_space<vmem>> -> memref<128xi32, #tpu.memory_space<vmem>>
    %dma_start3A_14 = arith.constant 0 : i32
    %dma_start3A_15 = arith.constant 0 : i32
    %dma_start3A_16 = tpu.memref_slice %arg3[%dma_start3A_14, %dma_start3A_15] : memref<1000000x64xf32, #tpu.memory_space<hbm>> -> memref<1000000x64xf32, #tpu.memory_space<hbm>>
    %dma_start3A_17 = tpu.memref_slice %arg7[%dma_start3A_6] : memref<4x!tpu.dma_semaphore, #tpu.memory_space<semaphore_mem>> -> memref<1x!tpu.dma_semaphore, #tpu.memory_space<semaphore_mem>>
    %dma_start3A_18 = tpu.memref_squeeze %dma_start3A_17 : memref<1x!tpu.dma_semaphore, #tpu.memory_space<semaphore_mem>> -> memref<!tpu.dma_semaphore, #tpu.memory_space<semaphore_mem>>
    tpu.enqueue_indirect_dma source(%dma_start3A_16 : memref<1000000x64xf32, #tpu.memory_space<hbm>>) target(%dma_start3A_10 : memref<128x64xf32, #tpu.memory_space<vmem>>) offsets(%dma_start3A_13 : memref<128xi32, #tpu.memory_space<vmem>>) semaphore(%dma_start3A_18 : memref<!tpu.dma_semaphore, #tpu.memory_space<semaphore_mem>>)
    %dma_start3A_19 = arith.constant 1 : i32
    %dma_start3A_20 = arith.constant 1 : i32
    %dma_start3A_21 = arith.constant 1 : i32
    %dma_start3A_22 = arith.constant 0 : i32
    %dma_start3A_23 = arith.constant 0 : i32
    %dma_start3A_24 = tpu.memref_slice %arg6[%dma_start3A_20, %dma_start3A_22, %dma_start3A_23] : memref<4x128x64xf32, #tpu.memory_space<vmem>> -> memref<1x128x64xf32, #tpu.memory_space<vmem>>
    %dma_start3A_25 = tpu.memref_squeeze %dma_start3A_24 : memref<1x128x64xf32, #tpu.memory_space<vmem>> -> memref<128x64xf32, #tpu.memory_space<vmem>>
    %dma_start3A_26 = arith.constant 0 : i32
    %dma_start3A_27 = tpu.memref_slice %arg5[%dma_start3A_19, %dma_start3A_26] : memref<200x128xi32, #tpu.memory_space<vmem>> -> memref<1x128xi32, #tpu.memory_space<vmem>>
    %dma_start3A_28 = tpu.memref_squeeze %dma_start3A_27 : memref<1x128xi32, #tpu.memory_space<vmem>> -> memref<128xi32, #tpu.memory_space<vmem>>
    %dma_start3A_29 = arith.constant 0 : i32
    %dma_start3A_30 = arith.constant 0 : i32
    %dma_start3A_31 = tpu.memref_slice %arg3[%dma_start3A_29, %dma_start3A_30] : memref<1000000x64xf32, #tpu.memory_space<hbm>> -> memref<1000000x64xf32, #tpu.memory_space<hbm>>
    %dma_start3A_32 = tpu.memref_slice %arg7[%dma_start3A_21] : memref<4x!tpu.dma_semaphore, #tpu.memory_space<semaphore_mem>> -> memref<1x!tpu.dma_semaphore, #tpu.memory_space<semaphore_mem>>
    %dma_start3A_33 = tpu.memref_squeeze %dma_start3A_32 : memref<1x!tpu.dma_semaphore, #tpu.memory_space<semaphore_mem>> -> memref<!tpu.dma_semaphore, #tpu.memory_space<semaphore_mem>>
    tpu.enqueue_indirect_dma source(%dma_start3A_31 : memref<1000000x64xf32, #tpu.memory_space<hbm>>) target(%dma_start3A_25 : memref<128x64xf32, #tpu.memory_space<vmem>>) offsets(%dma_start3A_28 : memref<128xi32, #tpu.memory_space<vmem>>) semaphore(%dma_start3A_33 : memref<!tpu.dma_semaphore, #tpu.memory_space<semaphore_mem>>)
    %scan3A = arith.constant 0 : i32
    %scan3A_34 = arith.constant 0 : i32
    %scan3A_35 = arith.constant 50 : i32
    %scan3A_36 = arith.addi %scan3A_34, %scan3A_35 : i32
    %scan3A_37 = arith.constant 1 : i32
    scf.for %scan3A_110 = %scan3A_34 to %scan3A_36 step %scan3A_37  : i32 {
      %mul3A_111 = arith.constant 4 : i32
      %mul3A_112 = arith.muli %scan3A_110, %mul3A_111 : i32
      %add3A_113 = arith.constant 0 : i32
      %add3A_114 = arith.addi %mul3A_112, %add3A_113 : i32
      %add3A_115 = arith.constant 2 : i32
      %add3A_116 = arith.addi %add3A_114, %add3A_115 : i32
      %lt3A = arith.constant 200 : i32
      %lt3A_117 = arith.cmpi slt, %add3A_116, %lt3A : i32
      %convert_element_type3A = arith.extui %lt3A_117 : i1 to i32
      %cond3A = arith.constant 0 : i32
      %cond3A_118 = arith.cmpi ne, %convert_element_type3A, %cond3A : i32
      scf.if %cond3A_118 {
        %ge3A = arith.constant 4 : i32
        %ge3A_308 = arith.cmpi sge, %add3A_116, %ge3A : i32
        %convert_element_type3A_309 = arith.extui %ge3A_308 : i1 to i32
        %cond3A_310 = arith.constant 0 : i32
        %cond3A_311 = arith.cmpi ne, %convert_element_type3A_309, %cond3A_310 : i32
        scf.if %cond3A_311 {
          %sub3A = arith.constant 4 : i32
          %sub3A_326 = arith.subi %add3A_116, %sub3A : i32
          %mul3A_327 = arith.constant 128 : i32
          %mul3A_328 = arith.muli %sub3A_326, %mul3A_327 : i32
          %add3A_329 = arith.addi %mul3A_2, %mul3A_328 : i32
          %dma_wait3A_330 = arith.constant 2 : i32
          %dma_wait3A_331 = arith.constant 2 : i32
          %dma_wait3A_332 = arith.constant 0 : i32
          %dma_wait3A_333 = arith.constant 0 : i32
          %dma_wait3A_334 = tpu.memref_slice %arg6[%dma_wait3A_330, %dma_wait3A_332, %dma_wait3A_333] : memref<4x128x64xf32, #tpu.memory_space<vmem>> -> memref<1x128x64xf32, #tpu.memory_space<vmem>>
          %dma_wait3A_335 = tpu.memref_squeeze %dma_wait3A_334 : memref<1x128x64xf32, #tpu.memory_space<vmem>> -> memref<128x64xf32, #tpu.memory_space<vmem>>
          %dma_wait3A_336 = arith.constant 0 : i32
          %dma_wait3A_337 = tpu.memref_slice %arg4[%add3A_329, %dma_wait3A_336] : memref<819200x64xf32, #tpu.memory_space<hbm>> -> memref<128x64xf32, #tpu.memory_space<hbm>>
          %dma_wait3A_338 = tpu.memref_slice %arg8[%dma_wait3A_331] : memref<4x!tpu.dma_semaphore, #tpu.memory_space<semaphore_mem>> -> memref<1x!tpu.dma_semaphore, #tpu.memory_space<semaphore_mem>>
          %dma_wait3A_339 = tpu.memref_squeeze %dma_wait3A_338 : memref<1x!tpu.dma_semaphore, #tpu.memory_space<semaphore_mem>> -> memref<!tpu.dma_semaphore, #tpu.memory_space<semaphore_mem>>
          %dma_wait3A_340 = arith.constant 0 : i32
          %dma_wait3A_341 = tpu.memref_slice %arg4[%add3A_329, %dma_wait3A_340] : memref<819200x64xf32, #tpu.memory_space<hbm>> -> memref<128x64xf32, #tpu.memory_space<hbm>>
          %dma_wait3A_342 = arith.constant 0 : i32
          %dma_wait3A_343 = arith.constant 0 : i32
          %dma_wait3A_344 = tpu.memref_slice %arg6[%dma_wait3A_330, %dma_wait3A_342, %dma_wait3A_343] : memref<4x128x64xf32, #tpu.memory_space<vmem>> -> memref<1x128x64xf32, #tpu.memory_space<vmem>>
          %dma_wait3A_345 = tpu.memref_squeeze %dma_wait3A_344 : memref<1x128x64xf32, #tpu.memory_space<vmem>> -> memref<128x64xf32, #tpu.memory_space<vmem>>
          tpu.wait_dma2 semaphore(%dma_wait3A_339 : memref<!tpu.dma_semaphore, #tpu.memory_space<semaphore_mem>>) src(%dma_wait3A_345 : memref<128x64xf32, #tpu.memory_space<vmem>>) dst(%dma_wait3A_341 : memref<128x64xf32, #tpu.memory_space<hbm>>)
        } else {
        }
        %dma_start3A_312 = arith.constant 2 : i32
        %dma_start3A_313 = arith.constant 2 : i32
        %dma_start3A_314 = arith.constant 0 : i32
        %dma_start3A_315 = arith.constant 0 : i32
        %dma_start3A_316 = tpu.memref_slice %arg6[%dma_start3A_312, %dma_start3A_314, %dma_start3A_315] : memref<4x128x64xf32, #tpu.memory_space<vmem>> -> memref<1x128x64xf32, #tpu.memory_space<vmem>>
        %dma_start3A_317 = tpu.memref_squeeze %dma_start3A_316 : memref<1x128x64xf32, #tpu.memory_space<vmem>> -> memref<128x64xf32, #tpu.memory_space<vmem>>
        %dma_start3A_318 = arith.constant 0 : i32
        %dma_start3A_319 = tpu.memref_slice %arg5[%add3A_116, %dma_start3A_318] : memref<200x128xi32, #tpu.memory_space<vmem>> -> memref<1x128xi32, #tpu.memory_space<vmem>>
        %dma_start3A_320 = tpu.memref_squeeze %dma_start3A_319 : memref<1x128xi32, #tpu.memory_space<vmem>> -> memref<128xi32, #tpu.memory_space<vmem>>
        %dma_start3A_321 = arith.constant 0 : i32
        %dma_start3A_322 = arith.constant 0 : i32
        %dma_start3A_323 = tpu.memref_slice %arg3[%dma_start3A_321, %dma_start3A_322] : memref<1000000x64xf32, #tpu.memory_space<hbm>> -> memref<1000000x64xf32, #tpu.memory_space<hbm>>
        %dma_start3A_324 = tpu.memref_slice %arg7[%dma_start3A_313] : memref<4x!tpu.dma_semaphore, #tpu.memory_space<semaphore_mem>> -> memref<1x!tpu.dma_semaphore, #tpu.memory_space<semaphore_mem>>
        %dma_start3A_325 = tpu.memref_squeeze %dma_start3A_324 : memref<1x!tpu.dma_semaphore, #tpu.memory_space<semaphore_mem>> -> memref<!tpu.dma_semaphore, #tpu.memory_space<semaphore_mem>>
        tpu.enqueue_indirect_dma source(%dma_start3A_323 : memref<1000000x64xf32, #tpu.memory_space<hbm>>) target(%dma_start3A_317 : memref<128x64xf32, #tpu.memory_space<vmem>>) offsets(%dma_start3A_320 : memref<128xi32, #tpu.memory_space<vmem>>) semaphore(%dma_start3A_325 : memref<!tpu.dma_semaphore, #tpu.memory_space<semaphore_mem>>)
      } else {
      }
      %dma_wait3A_119 = arith.constant 0 : i32
      %dma_wait3A_120 = arith.constant 0 : i32
      %dma_wait3A_121 = arith.constant 0 : i32
      %dma_wait3A_122 = arith.constant 0 : i32
      %dma_wait3A_123 = tpu.memref_slice %arg6[%dma_wait3A_119, %dma_wait3A_121, %dma_wait3A_122] : memref<4x128x64xf32, #tpu.memory_space<vmem>> -> memref<1x128x64xf32, #tpu.memory_space<vmem>>
      %dma_wait3A_124 = tpu.memref_squeeze %dma_wait3A_123 : memref<1x128x64xf32, #tpu.memory_space<vmem>> -> memref<128x64xf32, #tpu.memory_space<vmem>>
      %dma_wait3A_125 = arith.constant 0 : i32
      %dma_wait3A_126 = tpu.memref_slice %arg5[%add3A_114, %dma_wait3A_125] : memref<200x128xi32, #tpu.memory_space<vmem>> -> memref<1x128xi32, #tpu.memory_space<vmem>>
      %dma_wait3A_127 = tpu.memref_squeeze %dma_wait3A_126 : memref<1x128xi32, #tpu.memory_space<vmem>> -> memref<128xi32, #tpu.memory_space<vmem>>
      %dma_wait3A_128 = arith.constant 0 : i32
      %dma_wait3A_129 = arith.constant 0 : i32
      %dma_wait3A_130 = tpu.memref_slice %arg3[%dma_wait3A_128, %dma_wait3A_129] : memref<1000000x64xf32, #tpu.memory_space<hbm>> -> memref<1000000x64xf32, #tpu.memory_space<hbm>>
      %dma_wait3A_131 = tpu.memref_slice %arg7[%dma_wait3A_120] : memref<4x!tpu.dma_semaphore, #tpu.memory_space<semaphore_mem>> -> memref<1x!tpu.dma_semaphore, #tpu.memory_space<semaphore_mem>>
      %dma_wait3A_132 = tpu.memref_squeeze %dma_wait3A_131 : memref<1x!tpu.dma_semaphore, #tpu.memory_space<semaphore_mem>> -> memref<!tpu.dma_semaphore, #tpu.memory_space<semaphore_mem>>
      tpu.wait_indirect_dma semaphore(%dma_wait3A_132 : memref<!tpu.dma_semaphore, #tpu.memory_space<semaphore_mem>>) src(%dma_wait3A_130 : memref<1000000x64xf32, #tpu.memory_space<hbm>>) dst(%dma_wait3A_124 : memref<128x64xf32, #tpu.memory_space<vmem>>)
      %scan3A_133 = arith.constant 0 : i32
      %scan3A_134 = arith.constant 0 : i32
      %scan3A_135 = arith.constant 128 : i32
      %scan3A_136 = arith.addi %scan3A_134, %scan3A_135 : i32
      %scan3A_137 = arith.constant 1 : i32
      scf.for %scan3A_308 = %scan3A_134 to %scan3A_136 step %scan3A_137  : i32 {
        %get3A = arith.constant 0 : i32
        %get3A_309 = arith.index_cast %get3A : i32 to index
        %get3A_310 = arith.index_cast %scan3A_308 : i32 to index
        %get3A_311 = arith.constant 0 : index
        %get3A_312 = tpu.vector_load %arg6[%get3A_309, %get3A_310, %get3A_311] {strides = array<i32>} : memref<4x128x64xf32, #tpu.memory_space<vmem>>, vector<1x1x16xf32>,
        %get3A_313 = vector.shape_cast %get3A_312 : vector<1x1x16xf32> to vector<16xf32>
        %mul3A_314 = arith.constant 8.000000e+00 : f32
        %mul3A_315 = vector.broadcast %mul3A_314 : f32 to vector<16xf32>
        %mul3A_316 = arith.mulf %get3A_313, %mul3A_315 : vector<16xf32>
        %swap3A = arith.constant 0 : i32
        %swap3A_317 = arith.index_cast %swap3A : i32 to index
        %swap3A_318 = arith.index_cast %scan3A_308 : i32 to index
        %swap3A_319 = arith.constant 0 : index
        %swap3A_320 = tpu.vector_load %arg6[%swap3A_317, %swap3A_318, %swap3A_319] {strides = array<i32>} : memref<4x128x64xf32, #tpu.memory_space<vmem>>, vector<1x1x16xf32>,
        %swap3A_321 = vector.shape_cast %swap3A_320 : vector<1x1x16xf32> to vector<16xf32>
        %swap3A_322 = vector.shape_cast %mul3A_316 : vector<16xf32> to vector<1x1x16xf32>
        tpu.vector_store %arg6[%swap3A_317, %swap3A_318, %swap3A_319], %swap3A_322 {strides = array<i32>} : memref<4x128x64xf32, #tpu.memory_space<vmem>>, vector<1x1x16xf32>,
        %get3A_323 = arith.constant 0 : i32
        %get3A_324 = arith.index_cast %get3A_323 : i32 to index
        %get3A_325 = arith.index_cast %scan3A_308 : i32 to index
        %get3A_326 = arith.constant 16 : index
        %get3A_327 = tpu.vector_load %arg6[%get3A_324, %get3A_325, %get3A_326] {strides = array<i32>} : memref<4x128x64xf32, #tpu.memory_space<vmem>>, vector<1x1x16xf32>,
        %get3A_328 = vector.shape_cast %get3A_327 : vector<1x1x16xf32> to vector<16xf32>
        %mul3A_329 = arith.constant 8.000000e+00 : f32
        %mul3A_330 = vector.broadcast %mul3A_329 : f32 to vector<16xf32>
        %mul3A_331 = arith.mulf %get3A_328, %mul3A_330 : vector<16xf32>
        %swap3A_332 = arith.constant 0 : i32
        %swap3A_333 = arith.index_cast %swap3A_332 : i32 to index
        %swap3A_334 = arith.index_cast %scan3A_308 : i32 to index
        %swap3A_335 = arith.constant 16 : index
        %swap3A_336 = tpu.vector_load %arg6[%swap3A_333, %swap3A_334, %swap3A_335] {strides = array<i32>} : memref<4x128x64xf32, #tpu.memory_space<vmem>>, vector<1x1x16xf32>,
        %swap3A_337 = vector.shape_cast %swap3A_336 : vector<1x1x16xf32> to vector<16xf32>
        %swap3A_338 = vector.shape_cast %mul3A_331 : vector<16xf32> to vector<1x1x16xf32>
        tpu.vector_store %arg6[%swap3A_333, %swap3A_334, %swap3A_335], %swap3A_338 {strides = array<i32>} : memref<4x128x64xf32, #tpu.memory_space<vmem>>, vector<1x1x16xf32>,
        %get3A_339 = arith.constant 0 : i32
        %get3A_340 = arith.index_cast %get3A_339 : i32 to index
        %get3A_341 = arith.index_cast %scan3A_308 : i32 to index
        %get3A_342 = arith.constant 32 : index
        %get3A_343 = tpu.vector_load %arg6[%get3A_340, %get3A_341, %get3A_342] {strides = array<i32>} : memref<4x128x64xf32, #tpu.memory_space<vmem>>, vector<1x1x16xf32>,
        %get3A_344 = vector.shape_cast %get3A_343 : vector<1x1x16xf32> to vector<16xf32>
        %mul3A_345 = arith.constant 8.000000e+00 : f32
        %mul3A_346 = vector.broadcast %mul3A_345 : f32 to vector<16xf32>
        %mul3A_347 = arith.mulf %get3A_344, %mul3A_346 : vector<16xf32>
        %swap3A_348 = arith.constant 0 : i32
        %swap3A_349 = arith.index_cast %swap3A_348 : i32 to index
        %swap3A_350 = arith.index_cast %scan3A_308 : i32 to index
        %swap3A_351 = arith.constant 32 : index
        %swap3A_352 = tpu.vector_load %arg6[%swap3A_349, %swap3A_350, %swap3A_351] {strides = array<i32>} : memref<4x128x64xf32, #tpu.memory_space<vmem>>, vector<1x1x16xf32>,
        %swap3A_353 = vector.shape_cast %swap3A_352 : vector<1x1x16xf32> to vector<16xf32>
        %swap3A_354 = vector.shape_cast %mul3A_347 : vector<16xf32> to vector<1x1x16xf32>
        tpu.vector_store %arg6[%swap3A_349, %swap3A_350, %swap3A_351], %swap3A_354 {strides = array<i32>} : memref<4x128x64xf32, #tpu.memory_space<vmem>>, vector<1x1x16xf32>,
        %get3A_355 = arith.constant 0 : i32
        %get3A_356 = arith.index_cast %get3A_355 : i32 to index
        %get3A_357 = arith.index_cast %scan3A_308 : i32 to index
        %get3A_358 = arith.constant 48 : index
        %get3A_359 = tpu.vector_load %arg6[%get3A_356, %get3A_357, %get3A_358] {strides = array<i32>} : memref<4x128x64xf32, #tpu.memory_space<vmem>>, vector<1x1x16xf32>,
        %get3A_360 = vector.shape_cast %get3A_359 : vector<1x1x16xf32> to vector<16xf32>
        %mul3A_361 = arith.constant 8.000000e+00 : f32
        %mul3A_362 = vector.broadcast %mul3A_361 : f32 to vector<16xf32>
        %mul3A_363 = arith.mulf %get3A_360, %mul3A_362 : vector<16xf32>
        %swap3A_364 = arith.constant 0 : i32
        %swap3A_365 = arith.index_cast %swap3A_364 : i32 to index
        %swap3A_366 = arith.index_cast %scan3A_308 : i32 to index
        %swap3A_367 = arith.constant 48 : index
        %swap3A_368 = tpu.vector_load %arg6[%swap3A_365, %swap3A_366, %swap3A_367] {strides = array<i32>} : memref<4x128x64xf32, #tpu.memory_space<vmem>>, vector<1x1x16xf32>,
        %swap3A_369 = vector.shape_cast %swap3A_368 : vector<1x1x16xf32> to vector<16xf32>
        %swap3A_370 = vector.shape_cast %mul3A_363 : vector<16xf32> to vector<1x1x16xf32>
        tpu.vector_store %arg6[%swap3A_365, %swap3A_366, %swap3A_367], %swap3A_370 {strides = array<i32>} : memref<4x128x64xf32, #tpu.memory_space<vmem>>, vector<1x1x16xf32>,
      }
      %scan3A_138 = arith.constant 128 : i32
      %mul3A_139 = arith.constant 128 : i32
      %mul3A_140 = arith.muli %add3A_114, %mul3A_139 : i32
      %add3A_141 = arith.addi %mul3A_2, %mul3A_140 : i32
      %dma_start3A_142 = arith.constant 0 : i32
      %dma_start3A_143 = arith.constant 0 : i32
      %dma_start3A_144 = arith.constant 0 : i32
      %dma_start3A_145 = arith.constant 0 : i32
      %dma_start3A_146 = tpu.memref_slice %arg6[%dma_start3A_142, %dma_start3A_144, %dma_start3A_145] : memref<4x128x64xf32, #tpu.memory_space<vmem>> -> memref<1x128x64xf32, #tpu.memory_space<vmem>>
      %dma_start3A_147 = tpu.memref_squeeze %dma_start3A_146 : memref<1x128x64xf32, #tpu.memory_space<vmem>> -> memref<128x64xf32, #tpu.memory_space<vmem>>
      %dma_start3A_148 = arith.constant 0 : i32
      %dma_start3A_149 = tpu.memref_slice %arg4[%add3A_141, %dma_start3A_148] : memref<819200x64xf32, #tpu.memory_space<hbm>> -> memref<128x64xf32, #tpu.memory_space<hbm>>
      %dma_start3A_150 = tpu.memref_slice %arg8[%dma_start3A_143] : memref<4x!tpu.dma_semaphore, #tpu.memory_space<semaphore_mem>> -> memref<1x!tpu.dma_semaphore, #tpu.memory_space<semaphore_mem>>
      %dma_start3A_151 = tpu.memref_squeeze %dma_start3A_150 : memref<1x!tpu.dma_semaphore, #tpu.memory_space<semaphore_mem>> -> memref<!tpu.dma_semaphore, #tpu.memory_space<semaphore_mem>>
      %dma_start3A_152 = arith.constant 0 : i32
      %dma_start3A_153 = tpu.memref_slice %arg4[%add3A_141, %dma_start3A_152] : memref<819200x64xf32, #tpu.memory_space<hbm>> -> memref<128x64xf32, #tpu.memory_space<hbm>>
      %dma_start3A_154 = arith.constant 0 : i32
      %dma_start3A_155 = arith.constant 0 : i32
      %dma_start3A_156 = tpu.memref_slice %arg6[%dma_start3A_142, %dma_start3A_154, %dma_start3A_155] : memref<4x128x64xf32, #tpu.memory_space<vmem>> -> memref<1x128x64xf32, #tpu.memory_space<vmem>>
      %dma_start3A_157 = tpu.memref_squeeze %dma_start3A_156 : memref<1x128x64xf32, #tpu.memory_space<vmem>> -> memref<128x64xf32, #tpu.memory_space<vmem>>
      tpu.enqueue_dma source(%dma_start3A_157 : memref<128x64xf32, #tpu.memory_space<vmem>>) target(%dma_start3A_153 : memref<128x64xf32, #tpu.memory_space<hbm>>) target_semaphore(%dma_start3A_151 : memref<!tpu.dma_semaphore, #tpu.memory_space<semaphore_mem>>)
      %mul3A_158 = arith.constant 4 : i32
      %mul3A_159 = arith.muli %scan3A_110, %mul3A_158 : i32
      %add3A_160 = arith.constant 1 : i32
      %add3A_161 = arith.addi %mul3A_159, %add3A_160 : i32
      %add3A_162 = arith.constant 2 : i32
      %add3A_163 = arith.addi %add3A_161, %add3A_162 : i32
      %lt3A_164 = arith.constant 200 : i32
      %lt3A_165 = arith.cmpi slt, %add3A_163, %lt3A_164 : i32
      %convert_element_type3A_166 = arith.extui %lt3A_165 : i1 to i32
      %cond3A_167 = arith.constant 0 : i32
      %cond3A_168 = arith.cmpi ne, %convert_element_type3A_166, %cond3A_167 : i32
      scf.if %cond3A_168 {
        %ge3A = arith.constant 4 : i32
        %ge3A_308 = arith.cmpi sge, %add3A_163, %ge3A : i32
        %convert_element_type3A_309 = arith.extui %ge3A_308 : i1 to i32
        %cond3A_310 = arith.constant 0 : i32
        %cond3A_311 = arith.cmpi ne, %convert_element_type3A_309, %cond3A_310 : i32
        scf.if %cond3A_311 {
          %sub3A = arith.constant 4 : i32
          %sub3A_326 = arith.subi %add3A_163, %sub3A : i32
          %mul3A_327 = arith.constant 128 : i32
          %mul3A_328 = arith.muli %sub3A_326, %mul3A_327 : i32
          %add3A_329 = arith.addi %mul3A_2, %mul3A_328 : i32
          %dma_wait3A_330 = arith.constant 3 : i32
          %dma_wait3A_331 = arith.constant 3 : i32
          %dma_wait3A_332 = arith.constant 0 : i32
          %dma_wait3A_333 = arith.constant 0 : i32
          %dma_wait3A_334 = tpu.memref_slice %arg6[%dma_wait3A_330, %dma_wait3A_332, %dma_wait3A_333] : memref<4x128x64xf32, #tpu.memory_space<vmem>> -> memref<1x128x64xf32, #tpu.memory_space<vmem>>
          %dma_wait3A_335 = tpu.memref_squeeze %dma_wait3A_334 : memref<1x128x64xf32, #tpu.memory_space<vmem>> -> memref<128x64xf32, #tpu.memory_space<vmem>>
          %dma_wait3A_336 = arith.constant 0 : i32
          %dma_wait3A_337 = tpu.memref_slice %arg4[%add3A_329, %dma_wait3A_336] : memref<819200x64xf32, #tpu.memory_space<hbm>> -> memref<128x64xf32, #tpu.memory_space<hbm>>
          %dma_wait3A_338 = tpu.memref_slice %arg8[%dma_wait3A_331] : memref<4x!tpu.dma_semaphore, #tpu.memory_space<semaphore_mem>> -> memref<1x!tpu.dma_semaphore, #tpu.memory_space<semaphore_mem>>
          %dma_wait3A_339 = tpu.memref_squeeze %dma_wait3A_338 : memref<1x!tpu.dma_semaphore, #tpu.memory_space<semaphore_mem>> -> memref<!tpu.dma_semaphore, #tpu.memory_space<semaphore_mem>>
          %dma_wait3A_340 = arith.constant 0 : i32
          %dma_wait3A_341 = tpu.memref_slice %arg4[%add3A_329, %dma_wait3A_340] : memref<819200x64xf32, #tpu.memory_space<hbm>> -> memref<128x64xf32, #tpu.memory_space<hbm>>
          %dma_wait3A_342 = arith.constant 0 : i32
          %dma_wait3A_343 = arith.constant 0 : i32
          %dma_wait3A_344 = tpu.memref_slice %arg6[%dma_wait3A_330, %dma_wait3A_342, %dma_wait3A_343] : memref<4x128x64xf32, #tpu.memory_space<vmem>> -> memref<1x128x64xf32, #tpu.memory_space<vmem>>
          %dma_wait3A_345 = tpu.memref_squeeze %dma_wait3A_344 : memref<1x128x64xf32, #tpu.memory_space<vmem>> -> memref<128x64xf32, #tpu.memory_space<vmem>>
          tpu.wait_dma2 semaphore(%dma_wait3A_339 : memref<!tpu.dma_semaphore, #tpu.memory_space<semaphore_mem>>) src(%dma_wait3A_345 : memref<128x64xf32, #tpu.memory_space<vmem>>) dst(%dma_wait3A_341 : memref<128x64xf32, #tpu.memory_space<hbm>>)
        } else {
        }
        %dma_start3A_312 = arith.constant 3 : i32
        %dma_start3A_313 = arith.constant 3 : i32
        %dma_start3A_314 = arith.constant 0 : i32
        %dma_start3A_315 = arith.constant 0 : i32
        %dma_start3A_316 = tpu.memref_slice %arg6[%dma_start3A_312, %dma_start3A_314, %dma_start3A_315] : memref<4x128x64xf32, #tpu.memory_space<vmem>> -> memref<1x128x64xf32, #tpu.memory_space<vmem>>
        %dma_start3A_317 = tpu.memref_squeeze %dma_start3A_316 : memref<1x128x64xf32, #tpu.memory_space<vmem>> -> memref<128x64xf32, #tpu.memory_space<vmem>>
        %dma_start3A_318 = arith.constant 0 : i32
        %dma_start3A_319 = tpu.memref_slice %arg5[%add3A_163, %dma_start3A_318] : memref<200x128xi32, #tpu.memory_space<vmem>> -> memref<1x128xi32, #tpu.memory_space<vmem>>
        %dma_start3A_320 = tpu.memref_squeeze %dma_start3A_319 : memref<1x128xi32, #tpu.memory_space<vmem>> -> memref<128xi32, #tpu.memory_space<vmem>>
        %dma_start3A_321 = arith.constant 0 : i32
        %dma_start3A_322 = arith.constant 0 : i32
        %dma_start3A_323 = tpu.memref_slice %arg3[%dma_start3A_321, %dma_start3A_322] : memref<1000000x64xf32, #tpu.memory_space<hbm>> -> memref<1000000x64xf32, #tpu.memory_space<hbm>>
        %dma_start3A_324 = tpu.memref_slice %arg7[%dma_start3A_313] : memref<4x!tpu.dma_semaphore, #tpu.memory_space<semaphore_mem>> -> memref<1x!tpu.dma_semaphore, #tpu.memory_space<semaphore_mem>>
        %dma_start3A_325 = tpu.memref_squeeze %dma_start3A_324 : memref<1x!tpu.dma_semaphore, #tpu.memory_space<semaphore_mem>> -> memref<!tpu.dma_semaphore, #tpu.memory_space<semaphore_mem>>
        tpu.enqueue_indirect_dma source(%dma_start3A_323 : memref<1000000x64xf32, #tpu.memory_space<hbm>>) target(%dma_start3A_317 : memref<128x64xf32, #tpu.memory_space<vmem>>) offsets(%dma_start3A_320 : memref<128xi32, #tpu.memory_space<vmem>>) semaphore(%dma_start3A_325 : memref<!tpu.dma_semaphore, #tpu.memory_space<semaphore_mem>>)
      } else {
      }
      %dma_wait3A_169 = arith.constant 1 : i32
      %dma_wait3A_170 = arith.constant 1 : i32
      %dma_wait3A_171 = arith.constant 0 : i32
      %dma_wait3A_172 = arith.constant 0 : i32
      %dma_wait3A_173 = tpu.memref_slice %arg6[%dma_wait3A_169, %dma_wait3A_171, %dma_wait3A_172] : memref<4x128x64xf32, #tpu.memory_space<vmem>> -> memref<1x128x64xf32, #tpu.memory_space<vmem>>
      %dma_wait3A_174 = tpu.memref_squeeze %dma_wait3A_173 : memref<1x128x64xf32, #tpu.memory_space<vmem>> -> memref<128x64xf32, #tpu.memory_space<vmem>>
      %dma_wait3A_175 = arith.constant 0 : i32
      %dma_wait3A_176 = tpu.memref_slice %arg5[%add3A_161, %dma_wait3A_175] : memref<200x128xi32, #tpu.memory_space<vmem>> -> memref<1x128xi32, #tpu.memory_space<vmem>>
      %dma_wait3A_177 = tpu.memref_squeeze %dma_wait3A_176 : memref<1x128xi32, #tpu.memory_space<vmem>> -> memref<128xi32, #tpu.memory_space<vmem>>
      %dma_wait3A_178 = arith.constant 0 : i32
      %dma_wait3A_179 = arith.constant 0 : i32
      %dma_wait3A_180 = tpu.memref_slice %arg3[%dma_wait3A_178, %dma_wait3A_179] : memref<1000000x64xf32, #tpu.memory_space<hbm>> -> memref<1000000x64xf32, #tpu.memory_space<hbm>>
      %dma_wait3A_181 = tpu.memref_slice %arg7[%dma_wait3A_170] : memref<4x!tpu.dma_semaphore, #tpu.memory_space<semaphore_mem>> -> memref<1x!tpu.dma_semaphore, #tpu.memory_space<semaphore_mem>>
      %dma_wait3A_182 = tpu.memref_squeeze %dma_wait3A_181 : memref<1x!tpu.dma_semaphore, #tpu.memory_space<semaphore_mem>> -> memref<!tpu.dma_semaphore, #tpu.memory_space<semaphore_mem>>
      tpu.wait_indirect_dma semaphore(%dma_wait3A_182 : memref<!tpu.dma_semaphore, #tpu.memory_space<semaphore_mem>>) src(%dma_wait3A_180 : memref<1000000x64xf32, #tpu.memory_space<hbm>>) dst(%dma_wait3A_174 : memref<128x64xf32, #tpu.memory_space<vmem>>)
      %scan3A_183 = arith.constant 0 : i32
      %scan3A_184 = arith.constant 0 : i32
      %scan3A_185 = arith.constant 128 : i32
      %scan3A_186 = arith.addi %scan3A_184, %scan3A_185 : i32
      %scan3A_187 = arith.constant 1 : i32
      scf.for %scan3A_308 = %scan3A_184 to %scan3A_186 step %scan3A_187  : i32 {
        %get3A = arith.constant 1 : i32
        %get3A_309 = arith.index_cast %get3A : i32 to index
        %get3A_310 = arith.index_cast %scan3A_308 : i32 to index
        %get3A_311 = arith.constant 0 : index
        %get3A_312 = tpu.vector_load %arg6[%get3A_309, %get3A_310, %get3A_311] {strides = array<i32>} : memref<4x128x64xf32, #tpu.memory_space<vmem>>, vector<1x1x16xf32>,
        %get3A_313 = vector.shape_cast %get3A_312 : vector<1x1x16xf32> to vector<16xf32>
        %mul3A_314 = arith.constant 8.000000e+00 : f32
        %mul3A_315 = vector.broadcast %mul3A_314 : f32 to vector<16xf32>
        %mul3A_316 = arith.mulf %get3A_313, %mul3A_315 : vector<16xf32>
        %swap3A = arith.constant 1 : i32
        %swap3A_317 = arith.index_cast %swap3A : i32 to index
        %swap3A_318 = arith.index_cast %scan3A_308 : i32 to index
        %swap3A_319 = arith.constant 0 : index
        %swap3A_320 = tpu.vector_load %arg6[%swap3A_317, %swap3A_318, %swap3A_319] {strides = array<i32>} : memref<4x128x64xf32, #tpu.memory_space<vmem>>, vector<1x1x16xf32>,
        %swap3A_321 = vector.shape_cast %swap3A_320 : vector<1x1x16xf32> to vector<16xf32>
        %swap3A_322 = vector.shape_cast %mul3A_316 : vector<16xf32> to vector<1x1x16xf32>
        tpu.vector_store %arg6[%swap3A_317, %swap3A_318, %swap3A_319], %swap3A_322 {strides = array<i32>} : memref<4x128x64xf32, #tpu.memory_space<vmem>>, vector<1x1x16xf32>,
        %get3A_323 = arith.constant 1 : i32
        %get3A_324 = arith.index_cast %get3A_323 : i32 to index
        %get3A_325 = arith.index_cast %scan3A_308 : i32 to index
        %get3A_326 = arith.constant 16 : index
        %get3A_327 = tpu.vector_load %arg6[%get3A_324, %get3A_325, %get3A_326] {strides = array<i32>} : memref<4x128x64xf32, #tpu.memory_space<vmem>>, vector<1x1x16xf32>,
        %get3A_328 = vector.shape_cast %get3A_327 : vector<1x1x16xf32> to vector<16xf32>
        %mul3A_329 = arith.constant 8.000000e+00 : f32
        %mul3A_330 = vector.broadcast %mul3A_329 : f32 to vector<16xf32>
        %mul3A_331 = arith.mulf %get3A_328, %mul3A_330 : vector<16xf32>
        %swap3A_332 = arith.constant 1 : i32
        %swap3A_333 = arith.index_cast %swap3A_332 : i32 to index
        %swap3A_334 = arith.index_cast %scan3A_308 : i32 to index
        %swap3A_335 = arith.constant 16 : index
        %swap3A_336 = tpu.vector_load %arg6[%swap3A_333, %swap3A_334, %swap3A_335] {strides = array<i32>} : memref<4x128x64xf32, #tpu.memory_space<vmem>>, vector<1x1x16xf32>,
        %swap3A_337 = vector.shape_cast %swap3A_336 : vector<1x1x16xf32> to vector<16xf32>
        %swap3A_338 = vector.shape_cast %mul3A_331 : vector<16xf32> to vector<1x1x16xf32>
        tpu.vector_store %arg6[%swap3A_333, %swap3A_334, %swap3A_335], %swap3A_338 {strides = array<i32>} : memref<4x128x64xf32, #tpu.memory_space<vmem>>, vector<1x1x16xf32>,
        %get3A_339 = arith.constant 1 : i32
        %get3A_340 = arith.index_cast %get3A_339 : i32 to index
        %get3A_341 = arith.index_cast %scan3A_308 : i32 to index
        %get3A_342 = arith.constant 32 : index
        %get3A_343 = tpu.vector_load %arg6[%get3A_340, %get3A_341, %get3A_342] {strides = array<i32>} : memref<4x128x64xf32, #tpu.memory_space<vmem>>, vector<1x1x16xf32>,
        %get3A_344 = vector.shape_cast %get3A_343 : vector<1x1x16xf32> to vector<16xf32>
        %mul3A_345 = arith.constant 8.000000e+00 : f32
        %mul3A_346 = vector.broadcast %mul3A_345 : f32 to vector<16xf32>
        %mul3A_347 = arith.mulf %get3A_344, %mul3A_346 : vector<16xf32>
        %swap3A_348 = arith.constant 1 : i32
        %swap3A_349 = arith.index_cast %swap3A_348 : i32 to index
        %swap3A_350 = arith.index_cast %scan3A_308 : i32 to index
        %swap3A_351 = arith.constant 32 : index
        %swap3A_352 = tpu.vector_load %arg6[%swap3A_349, %swap3A_350, %swap3A_351] {strides = array<i32>} : memref<4x128x64xf32, #tpu.memory_space<vmem>>, vector<1x1x16xf32>,
        %swap3A_353 = vector.shape_cast %swap3A_352 : vector<1x1x16xf32> to vector<16xf32>
        %swap3A_354 = vector.shape_cast %mul3A_347 : vector<16xf32> to vector<1x1x16xf32>
        tpu.vector_store %arg6[%swap3A_349, %swap3A_350, %swap3A_351], %swap3A_354 {strides = array<i32>} : memref<4x128x64xf32, #tpu.memory_space<vmem>>, vector<1x1x16xf32>,
        %get3A_355 = arith.constant 1 : i32
        %get3A_356 = arith.index_cast %get3A_355 : i32 to index
        %get3A_357 = arith.index_cast %scan3A_308 : i32 to index
        %get3A_358 = arith.constant 48 : index
        %get3A_359 = tpu.vector_load %arg6[%get3A_356, %get3A_357, %get3A_358] {strides = array<i32>} : memref<4x128x64xf32, #tpu.memory_space<vmem>>, vector<1x1x16xf32>,
        %get3A_360 = vector.shape_cast %get3A_359 : vector<1x1x16xf32> to vector<16xf32>
        %mul3A_361 = arith.constant 8.000000e+00 : f32
        %mul3A_362 = vector.broadcast %mul3A_361 : f32 to vector<16xf32>
        %mul3A_363 = arith.mulf %get3A_360, %mul3A_362 : vector<16xf32>
        %swap3A_364 = arith.constant 1 : i32
        %swap3A_365 = arith.index_cast %swap3A_364 : i32 to index
        %swap3A_366 = arith.index_cast %scan3A_308 : i32 to index
        %swap3A_367 = arith.constant 48 : index
        %swap3A_368 = tpu.vector_load %arg6[%swap3A_365, %swap3A_366, %swap3A_367] {strides = array<i32>} : memref<4x128x64xf32, #tpu.memory_space<vmem>>, vector<1x1x16xf32>,
        %swap3A_369 = vector.shape_cast %swap3A_368 : vector<1x1x16xf32> to vector<16xf32>
        %swap3A_370 = vector.shape_cast %mul3A_363 : vector<16xf32> to vector<1x1x16xf32>
        tpu.vector_store %arg6[%swap3A_365, %swap3A_366, %swap3A_367], %swap3A_370 {strides = array<i32>} : memref<4x128x64xf32, #tpu.memory_space<vmem>>, vector<1x1x16xf32>,
      }
      %scan3A_188 = arith.constant 128 : i32
      %mul3A_189 = arith.constant 128 : i32
      %mul3A_190 = arith.muli %add3A_161, %mul3A_189 : i32
      %add3A_191 = arith.addi %mul3A_2, %mul3A_190 : i32
      %dma_start3A_192 = arith.constant 1 : i32
      %dma_start3A_193 = arith.constant 1 : i32
      %dma_start3A_194 = arith.constant 0 : i32
      %dma_start3A_195 = arith.constant 0 : i32
      %dma_start3A_196 = tpu.memref_slice %arg6[%dma_start3A_192, %dma_start3A_194, %dma_start3A_195] : memref<4x128x64xf32, #tpu.memory_space<vmem>> -> memref<1x128x64xf32, #tpu.memory_space<vmem>>
      %dma_start3A_197 = tpu.memref_squeeze %dma_start3A_196 : memref<1x128x64xf32, #tpu.memory_space<vmem>> -> memref<128x64xf32, #tpu.memory_space<vmem>>
      %dma_start3A_198 = arith.constant 0 : i32
      %dma_start3A_199 = tpu.memref_slice %arg4[%add3A_191, %dma_start3A_198] : memref<819200x64xf32, #tpu.memory_space<hbm>> -> memref<128x64xf32, #tpu.memory_space<hbm>>
      %dma_start3A_200 = tpu.memref_slice %arg8[%dma_start3A_193] : memref<4x!tpu.dma_semaphore, #tpu.memory_space<semaphore_mem>> -> memref<1x!tpu.dma_semaphore, #tpu.memory_space<semaphore_mem>>
      %dma_start3A_201 = tpu.memref_squeeze %dma_start3A_200 : memref<1x!tpu.dma_semaphore, #tpu.memory_space<semaphore_mem>> -> memref<!tpu.dma_semaphore, #tpu.memory_space<semaphore_mem>>
      %dma_start3A_202 = arith.constant 0 : i32
      %dma_start3A_203 = tpu.memref_slice %arg4[%add3A_191, %dma_start3A_202] : memref<819200x64xf32, #tpu.memory_space<hbm>> -> memref<128x64xf32, #tpu.memory_space<hbm>>
      %dma_start3A_204 = arith.constant 0 : i32
      %dma_start3A_205 = arith.constant 0 : i32
      %dma_start3A_206 = tpu.memref_slice %arg6[%dma_start3A_192, %dma_start3A_204, %dma_start3A_205] : memref<4x128x64xf32, #tpu.memory_space<vmem>> -> memref<1x128x64xf32, #tpu.memory_space<vmem>>
      %dma_start3A_207 = tpu.memref_squeeze %dma_start3A_206 : memref<1x128x64xf32, #tpu.memory_space<vmem>> -> memref<128x64xf32, #tpu.memory_space<vmem>>
      tpu.enqueue_dma source(%dma_start3A_207 : memref<128x64xf32, #tpu.memory_space<vmem>>) target(%dma_start3A_203 : memref<128x64xf32, #tpu.memory_space<hbm>>) target_semaphore(%dma_start3A_201 : memref<!tpu.dma_semaphore, #tpu.memory_space<semaphore_mem>>)
      %mul3A_208 = arith.constant 4 : i32
      %mul3A_209 = arith.muli %scan3A_110, %mul3A_208 : i32
      %add3A_210 = arith.constant 2 : i32
      %add3A_211 = arith.addi %mul3A_209, %add3A_210 : i32
      %add3A_212 = arith.constant 2 : i32
      %add3A_213 = arith.addi %add3A_211, %add3A_212 : i32
      %lt3A_214 = arith.constant 200 : i32
      %lt3A_215 = arith.cmpi slt, %add3A_213, %lt3A_214 : i32
      %convert_element_type3A_216 = arith.extui %lt3A_215 : i1 to i32
      %cond3A_217 = arith.constant 0 : i32
      %cond3A_218 = arith.cmpi ne, %convert_element_type3A_216, %cond3A_217 : i32
      scf.if %cond3A_218 {
        %ge3A = arith.constant 4 : i32
        %ge3A_308 = arith.cmpi sge, %add3A_213, %ge3A : i32
        %convert_element_type3A_309 = arith.extui %ge3A_308 : i1 to i32
        %cond3A_310 = arith.constant 0 : i32
        %cond3A_311 = arith.cmpi ne, %convert_element_type3A_309, %cond3A_310 : i32
        scf.if %cond3A_311 {
          %sub3A = arith.constant 4 : i32
          %sub3A_326 = arith.subi %add3A_213, %sub3A : i32
          %mul3A_327 = arith.constant 128 : i32
          %mul3A_328 = arith.muli %sub3A_326, %mul3A_327 : i32
          %add3A_329 = arith.addi %mul3A_2, %mul3A_328 : i32
          %dma_wait3A_330 = arith.constant 0 : i32
          %dma_wait3A_331 = arith.constant 0 : i32
          %dma_wait3A_332 = arith.constant 0 : i32
          %dma_wait3A_333 = arith.constant 0 : i32
          %dma_wait3A_334 = tpu.memref_slice %arg6[%dma_wait3A_330, %dma_wait3A_332, %dma_wait3A_333] : memref<4x128x64xf32, #tpu.memory_space<vmem>> -> memref<1x128x64xf32, #tpu.memory_space<vmem>>
          %dma_wait3A_335 = tpu.memref_squeeze %dma_wait3A_334 : memref<1x128x64xf32, #tpu.memory_space<vmem>> -> memref<128x64xf32, #tpu.memory_space<vmem>>
          %dma_wait3A_336 = arith.constant 0 : i32
          %dma_wait3A_337 = tpu.memref_slice %arg4[%add3A_329, %dma_wait3A_336] : memref<819200x64xf32, #tpu.memory_space<hbm>> -> memref<128x64xf32, #tpu.memory_space<hbm>>
          %dma_wait3A_338 = tpu.memref_slice %arg8[%dma_wait3A_331] : memref<4x!tpu.dma_semaphore, #tpu.memory_space<semaphore_mem>> -> memref<1x!tpu.dma_semaphore, #tpu.memory_space<semaphore_mem>>
          %dma_wait3A_339 = tpu.memref_squeeze %dma_wait3A_338 : memref<1x!tpu.dma_semaphore, #tpu.memory_space<semaphore_mem>> -> memref<!tpu.dma_semaphore, #tpu.memory_space<semaphore_mem>>
          %dma_wait3A_340 = arith.constant 0 : i32
          %dma_wait3A_341 = tpu.memref_slice %arg4[%add3A_329, %dma_wait3A_340] : memref<819200x64xf32, #tpu.memory_space<hbm>> -> memref<128x64xf32, #tpu.memory_space<hbm>>
          %dma_wait3A_342 = arith.constant 0 : i32
          %dma_wait3A_343 = arith.constant 0 : i32
          %dma_wait3A_344 = tpu.memref_slice %arg6[%dma_wait3A_330, %dma_wait3A_342, %dma_wait3A_343] : memref<4x128x64xf32, #tpu.memory_space<vmem>> -> memref<1x128x64xf32, #tpu.memory_space<vmem>>
          %dma_wait3A_345 = tpu.memref_squeeze %dma_wait3A_344 : memref<1x128x64xf32, #tpu.memory_space<vmem>> -> memref<128x64xf32, #tpu.memory_space<vmem>>
          tpu.wait_dma2 semaphore(%dma_wait3A_339 : memref<!tpu.dma_semaphore, #tpu.memory_space<semaphore_mem>>) src(%dma_wait3A_345 : memref<128x64xf32, #tpu.memory_space<vmem>>) dst(%dma_wait3A_341 : memref<128x64xf32, #tpu.memory_space<hbm>>)
        } else {
        }
        %dma_start3A_312 = arith.constant 0 : i32
        %dma_start3A_313 = arith.constant 0 : i32
        %dma_start3A_314 = arith.constant 0 : i32
        %dma_start3A_315 = arith.constant 0 : i32
        %dma_start3A_316 = tpu.memref_slice %arg6[%dma_start3A_312, %dma_start3A_314, %dma_start3A_315] : memref<4x128x64xf32, #tpu.memory_space<vmem>> -> memref<1x128x64xf32, #tpu.memory_space<vmem>>
        %dma_start3A_317 = tpu.memref_squeeze %dma_start3A_316 : memref<1x128x64xf32, #tpu.memory_space<vmem>> -> memref<128x64xf32, #tpu.memory_space<vmem>>
        %dma_start3A_318 = arith.constant 0 : i32
        %dma_start3A_319 = tpu.memref_slice %arg5[%add3A_213, %dma_start3A_318] : memref<200x128xi32, #tpu.memory_space<vmem>> -> memref<1x128xi32, #tpu.memory_space<vmem>>
        %dma_start3A_320 = tpu.memref_squeeze %dma_start3A_319 : memref<1x128xi32, #tpu.memory_space<vmem>> -> memref<128xi32, #tpu.memory_space<vmem>>
        %dma_start3A_321 = arith.constant 0 : i32
        %dma_start3A_322 = arith.constant 0 : i32
        %dma_start3A_323 = tpu.memref_slice %arg3[%dma_start3A_321, %dma_start3A_322] : memref<1000000x64xf32, #tpu.memory_space<hbm>> -> memref<1000000x64xf32, #tpu.memory_space<hbm>>
        %dma_start3A_324 = tpu.memref_slice %arg7[%dma_start3A_313] : memref<4x!tpu.dma_semaphore, #tpu.memory_space<semaphore_mem>> -> memref<1x!tpu.dma_semaphore, #tpu.memory_space<semaphore_mem>>
        %dma_start3A_325 = tpu.memref_squeeze %dma_start3A_324 : memref<1x!tpu.dma_semaphore, #tpu.memory_space<semaphore_mem>> -> memref<!tpu.dma_semaphore, #tpu.memory_space<semaphore_mem>>
        tpu.enqueue_indirect_dma source(%dma_start3A_323 : memref<1000000x64xf32, #tpu.memory_space<hbm>>) target(%dma_start3A_317 : memref<128x64xf32, #tpu.memory_space<vmem>>) offsets(%dma_start3A_320 : memref<128xi32, #tpu.memory_space<vmem>>) semaphore(%dma_start3A_325 : memref<!tpu.dma_semaphore, #tpu.memory_space<semaphore_mem>>)
      } else {
      }
      %dma_wait3A_219 = arith.constant 2 : i32
      %dma_wait3A_220 = arith.constant 2 : i32
      %dma_wait3A_221 = arith.constant 0 : i32
      %dma_wait3A_222 = arith.constant 0 : i32
      %dma_wait3A_223 = tpu.memref_slice %arg6[%dma_wait3A_219, %dma_wait3A_221, %dma_wait3A_222] : memref<4x128x64xf32, #tpu.memory_space<vmem>> -> memref<1x128x64xf32, #tpu.memory_space<vmem>>
      %dma_wait3A_224 = tpu.memref_squeeze %dma_wait3A_223 : memref<1x128x64xf32, #tpu.memory_space<vmem>> -> memref<128x64xf32, #tpu.memory_space<vmem>>
      %dma_wait3A_225 = arith.constant 0 : i32
      %dma_wait3A_226 = tpu.memref_slice %arg5[%add3A_211, %dma_wait3A_225] : memref<200x128xi32, #tpu.memory_space<vmem>> -> memref<1x128xi32, #tpu.memory_space<vmem>>
      %dma_wait3A_227 = tpu.memref_squeeze %dma_wait3A_226 : memref<1x128xi32, #tpu.memory_space<vmem>> -> memref<128xi32, #tpu.memory_space<vmem>>
      %dma_wait3A_228 = arith.constant 0 : i32
      %dma_wait3A_229 = arith.constant 0 : i32
      %dma_wait3A_230 = tpu.memref_slice %arg3[%dma_wait3A_228, %dma_wait3A_229] : memref<1000000x64xf32, #tpu.memory_space<hbm>> -> memref<1000000x64xf32, #tpu.memory_space<hbm>>
      %dma_wait3A_231 = tpu.memref_slice %arg7[%dma_wait3A_220] : memref<4x!tpu.dma_semaphore, #tpu.memory_space<semaphore_mem>> -> memref<1x!tpu.dma_semaphore, #tpu.memory_space<semaphore_mem>>
      %dma_wait3A_232 = tpu.memref_squeeze %dma_wait3A_231 : memref<1x!tpu.dma_semaphore, #tpu.memory_space<semaphore_mem>> -> memref<!tpu.dma_semaphore, #tpu.memory_space<semaphore_mem>>
      tpu.wait_indirect_dma semaphore(%dma_wait3A_232 : memref<!tpu.dma_semaphore, #tpu.memory_space<semaphore_mem>>) src(%dma_wait3A_230 : memref<1000000x64xf32, #tpu.memory_space<hbm>>) dst(%dma_wait3A_224 : memref<128x64xf32, #tpu.memory_space<vmem>>)
      %scan3A_233 = arith.constant 0 : i32
      %scan3A_234 = arith.constant 0 : i32
      %scan3A_235 = arith.constant 128 : i32
      %scan3A_236 = arith.addi %scan3A_234, %scan3A_235 : i32
      %scan3A_237 = arith.constant 1 : i32
      scf.for %scan3A_308 = %scan3A_234 to %scan3A_236 step %scan3A_237  : i32 {
        %get3A = arith.constant 2 : i32
        %get3A_309 = arith.index_cast %get3A : i32 to index
        %get3A_310 = arith.index_cast %scan3A_308 : i32 to index
        %get3A_311 = arith.constant 0 : index
        %get3A_312 = tpu.vector_load %arg6[%get3A_309, %get3A_310, %get3A_311] {strides = array<i32>} : memref<4x128x64xf32, #tpu.memory_space<vmem>>, vector<1x1x16xf32>,
        %get3A_313 = vector.shape_cast %get3A_312 : vector<1x1x16xf32> to vector<16xf32>
        %mul3A_314 = arith.constant 8.000000e+00 : f32
        %mul3A_315 = vector.broadcast %mul3A_314 : f32 to vector<16xf32>
        %mul3A_316 = arith.mulf %get3A_313, %mul3A_315 : vector<16xf32>
        %swap3A = arith.constant 2 : i32
        %swap3A_317 = arith.index_cast %swap3A : i32 to index
        %swap3A_318 = arith.index_cast %scan3A_308 : i32 to index
        %swap3A_319 = arith.constant 0 : index
        %swap3A_320 = tpu.vector_load %arg6[%swap3A_317, %swap3A_318, %swap3A_319] {strides = array<i32>} : memref<4x128x64xf32, #tpu.memory_space<vmem>>, vector<1x1x16xf32>,
        %swap3A_321 = vector.shape_cast %swap3A_320 : vector<1x1x16xf32> to vector<16xf32>
        %swap3A_322 = vector.shape_cast %mul3A_316 : vector<16xf32> to vector<1x1x16xf32>
        tpu.vector_store %arg6[%swap3A_317, %swap3A_318, %swap3A_319], %swap3A_322 {strides = array<i32>} : memref<4x128x64xf32, #tpu.memory_space<vmem>>, vector<1x1x16xf32>,
        %get3A_323 = arith.constant 2 : i32
        %get3A_324 = arith.index_cast %get3A_323 : i32 to index
        %get3A_325 = arith.index_cast %scan3A_308 : i32 to index
        %get3A_326 = arith.constant 16 : index
        %get3A_327 = tpu.vector_load %arg6[%get3A_324, %get3A_325, %get3A_326] {strides = array<i32>} : memref<4x128x64xf32, #tpu.memory_space<vmem>>, vector<1x1x16xf32>,
        %get3A_328 = vector.shape_cast %get3A_327 : vector<1x1x16xf32> to vector<16xf32>
        %mul3A_329 = arith.constant 8.000000e+00 : f32
        %mul3A_330 = vector.broadcast %mul3A_329 : f32 to vector<16xf32>
        %mul3A_331 = arith.mulf %get3A_328, %mul3A_330 : vector<16xf32>
        %swap3A_332 = arith.constant 2 : i32
        %swap3A_333 = arith.index_cast %swap3A_332 : i32 to index
        %swap3A_334 = arith.index_cast %scan3A_308 : i32 to index
        %swap3A_335 = arith.constant 16 : index
        %swap3A_336 = tpu.vector_load %arg6[%swap3A_333, %swap3A_334, %swap3A_335] {strides = array<i32>} : memref<4x128x64xf32, #tpu.memory_space<vmem>>, vector<1x1x16xf32>,
        %swap3A_337 = vector.shape_cast %swap3A_336 : vector<1x1x16xf32> to vector<16xf32>
        %swap3A_338 = vector.shape_cast %mul3A_331 : vector<16xf32> to vector<1x1x16xf32>
        tpu.vector_store %arg6[%swap3A_333, %swap3A_334, %swap3A_335], %swap3A_338 {strides = array<i32>} : memref<4x128x64xf32, #tpu.memory_space<vmem>>, vector<1x1x16xf32>,
        %get3A_339 = arith.constant 2 : i32
        %get3A_340 = arith.index_cast %get3A_339 : i32 to index
        %get3A_341 = arith.index_cast %scan3A_308 : i32 to index
        %get3A_342 = arith.constant 32 : index
        %get3A_343 = tpu.vector_load %arg6[%get3A_340, %get3A_341, %get3A_342] {strides = array<i32>} : memref<4x128x64xf32, #tpu.memory_space<vmem>>, vector<1x1x16xf32>,
        %get3A_344 = vector.shape_cast %get3A_343 : vector<1x1x16xf32> to vector<16xf32>
        %mul3A_345 = arith.constant 8.000000e+00 : f32
        %mul3A_346 = vector.broadcast %mul3A_345 : f32 to vector<16xf32>
        %mul3A_347 = arith.mulf %get3A_344, %mul3A_346 : vector<16xf32>
        %swap3A_348 = arith.constant 2 : i32
        %swap3A_349 = arith.index_cast %swap3A_348 : i32 to index
        %swap3A_350 = arith.index_cast %scan3A_308 : i32 to index
        %swap3A_351 = arith.constant 32 : index
        %swap3A_352 = tpu.vector_load %arg6[%swap3A_349, %swap3A_350, %swap3A_351] {strides = array<i32>} : memref<4x128x64xf32, #tpu.memory_space<vmem>>, vector<1x1x16xf32>,
        %swap3A_353 = vector.shape_cast %swap3A_352 : vector<1x1x16xf32> to vector<16xf32>
        %swap3A_354 = vector.shape_cast %mul3A_347 : vector<16xf32> to vector<1x1x16xf32>
        tpu.vector_store %arg6[%swap3A_349, %swap3A_350, %swap3A_351], %swap3A_354 {strides = array<i32>} : memref<4x128x64xf32, #tpu.memory_space<vmem>>, vector<1x1x16xf32>,
        %get3A_355 = arith.constant 2 : i32
        %get3A_356 = arith.index_cast %get3A_355 : i32 to index
        %get3A_357 = arith.index_cast %scan3A_308 : i32 to index
        %get3A_358 = arith.constant 48 : index
        %get3A_359 = tpu.vector_load %arg6[%get3A_356, %get3A_357, %get3A_358] {strides = array<i32>} : memref<4x128x64xf32, #tpu.memory_space<vmem>>, vector<1x1x16xf32>,
        %get3A_360 = vector.shape_cast %get3A_359 : vector<1x1x16xf32> to vector<16xf32>
        %mul3A_361 = arith.constant 8.000000e+00 : f32
        %mul3A_362 = vector.broadcast %mul3A_361 : f32 to vector<16xf32>
        %mul3A_363 = arith.mulf %get3A_360, %mul3A_362 : vector<16xf32>
        %swap3A_364 = arith.constant 2 : i32
        %swap3A_365 = arith.index_cast %swap3A_364 : i32 to index
        %swap3A_366 = arith.index_cast %scan3A_308 : i32 to index
        %swap3A_367 = arith.constant 48 : index
        %swap3A_368 = tpu.vector_load %arg6[%swap3A_365, %swap3A_366, %swap3A_367] {strides = array<i32>} : memref<4x128x64xf32, #tpu.memory_space<vmem>>, vector<1x1x16xf32>,
        %swap3A_369 = vector.shape_cast %swap3A_368 : vector<1x1x16xf32> to vector<16xf32>
        %swap3A_370 = vector.shape_cast %mul3A_363 : vector<16xf32> to vector<1x1x16xf32>
        tpu.vector_store %arg6[%swap3A_365, %swap3A_366, %swap3A_367], %swap3A_370 {strides = array<i32>} : memref<4x128x64xf32, #tpu.memory_space<vmem>>, vector<1x1x16xf32>,
      }
      %scan3A_238 = arith.constant 128 : i32
      %mul3A_239 = arith.constant 128 : i32
      %mul3A_240 = arith.muli %add3A_211, %mul3A_239 : i32
      %add3A_241 = arith.addi %mul3A_2, %mul3A_240 : i32
      %dma_start3A_242 = arith.constant 2 : i32
      %dma_start3A_243 = arith.constant 2 : i32
      %dma_start3A_244 = arith.constant 0 : i32
      %dma_start3A_245 = arith.constant 0 : i32
      %dma_start3A_246 = tpu.memref_slice %arg6[%dma_start3A_242, %dma_start3A_244, %dma_start3A_245] : memref<4x128x64xf32, #tpu.memory_space<vmem>> -> memref<1x128x64xf32, #tpu.memory_space<vmem>>
      %dma_start3A_247 = tpu.memref_squeeze %dma_start3A_246 : memref<1x128x64xf32, #tpu.memory_space<vmem>> -> memref<128x64xf32, #tpu.memory_space<vmem>>
      %dma_start3A_248 = arith.constant 0 : i32
      %dma_start3A_249 = tpu.memref_slice %arg4[%add3A_241, %dma_start3A_248] : memref<819200x64xf32, #tpu.memory_space<hbm>> -> memref<128x64xf32, #tpu.memory_space<hbm>>
      %dma_start3A_250 = tpu.memref_slice %arg8[%dma_start3A_243] : memref<4x!tpu.dma_semaphore, #tpu.memory_space<semaphore_mem>> -> memref<1x!tpu.dma_semaphore, #tpu.memory_space<semaphore_mem>>
      %dma_start3A_251 = tpu.memref_squeeze %dma_start3A_250 : memref<1x!tpu.dma_semaphore, #tpu.memory_space<semaphore_mem>> -> memref<!tpu.dma_semaphore, #tpu.memory_space<semaphore_mem>>
      %dma_start3A_252 = arith.constant 0 : i32
      %dma_start3A_253 = tpu.memref_slice %arg4[%add3A_241, %dma_start3A_252] : memref<819200x64xf32, #tpu.memory_space<hbm>> -> memref<128x64xf32, #tpu.memory_space<hbm>>
      %dma_start3A_254 = arith.constant 0 : i32
      %dma_start3A_255 = arith.constant 0 : i32
      %dma_start3A_256 = tpu.memref_slice %arg6[%dma_start3A_242, %dma_start3A_254, %dma_start3A_255] : memref<4x128x64xf32, #tpu.memory_space<vmem>> -> memref<1x128x64xf32, #tpu.memory_space<vmem>>
      %dma_start3A_257 = tpu.memref_squeeze %dma_start3A_256 : memref<1x128x64xf32, #tpu.memory_space<vmem>> -> memref<128x64xf32, #tpu.memory_space<vmem>>
      tpu.enqueue_dma source(%dma_start3A_257 : memref<128x64xf32, #tpu.memory_space<vmem>>) target(%dma_start3A_253 : memref<128x64xf32, #tpu.memory_space<hbm>>) target_semaphore(%dma_start3A_251 : memref<!tpu.dma_semaphore, #tpu.memory_space<semaphore_mem>>)
      %mul3A_258 = arith.constant 4 : i32
      %mul3A_259 = arith.muli %scan3A_110, %mul3A_258 : i32
      %add3A_260 = arith.constant 3 : i32
      %add3A_261 = arith.addi %mul3A_259, %add3A_260 : i32
      %add3A_262 = arith.constant 2 : i32
      %add3A_263 = arith.addi %add3A_261, %add3A_262 : i32
      %lt3A_264 = arith.constant 200 : i32
      %lt3A_265 = arith.cmpi slt, %add3A_263, %lt3A_264 : i32
      %convert_element_type3A_266 = arith.extui %lt3A_265 : i1 to i32
      %cond3A_267 = arith.constant 0 : i32
      %cond3A_268 = arith.cmpi ne, %convert_element_type3A_266, %cond3A_267 : i32
      scf.if %cond3A_268 {
        %ge3A = arith.constant 4 : i32
        %ge3A_308 = arith.cmpi sge, %add3A_263, %ge3A : i32
        %convert_element_type3A_309 = arith.extui %ge3A_308 : i1 to i32
        %cond3A_310 = arith.constant 0 : i32
        %cond3A_311 = arith.cmpi ne, %convert_element_type3A_309, %cond3A_310 : i32
        scf.if %cond3A_311 {
          %sub3A = arith.constant 4 : i32
          %sub3A_326 = arith.subi %add3A_263, %sub3A : i32
          %mul3A_327 = arith.constant 128 : i32
          %mul3A_328 = arith.muli %sub3A_326, %mul3A_327 : i32
          %add3A_329 = arith.addi %mul3A_2, %mul3A_328 : i32
          %dma_wait3A_330 = arith.constant 1 : i32
          %dma_wait3A_331 = arith.constant 1 : i32
          %dma_wait3A_332 = arith.constant 0 : i32
          %dma_wait3A_333 = arith.constant 0 : i32
          %dma_wait3A_334 = tpu.memref_slice %arg6[%dma_wait3A_330, %dma_wait3A_332, %dma_wait3A_333] : memref<4x128x64xf32, #tpu.memory_space<vmem>> -> memref<1x128x64xf32, #tpu.memory_space<vmem>>
          %dma_wait3A_335 = tpu.memref_squeeze %dma_wait3A_334 : memref<1x128x64xf32, #tpu.memory_space<vmem>> -> memref<128x64xf32, #tpu.memory_space<vmem>>
          %dma_wait3A_336 = arith.constant 0 : i32
          %dma_wait3A_337 = tpu.memref_slice %arg4[%add3A_329, %dma_wait3A_336] : memref<819200x64xf32, #tpu.memory_space<hbm>> -> memref<128x64xf32, #tpu.memory_space<hbm>>
          %dma_wait3A_338 = tpu.memref_slice %arg8[%dma_wait3A_331] : memref<4x!tpu.dma_semaphore, #tpu.memory_space<semaphore_mem>> -> memref<1x!tpu.dma_semaphore, #tpu.memory_space<semaphore_mem>>
          %dma_wait3A_339 = tpu.memref_squeeze %dma_wait3A_338 : memref<1x!tpu.dma_semaphore, #tpu.memory_space<semaphore_mem>> -> memref<!tpu.dma_semaphore, #tpu.memory_space<semaphore_mem>>
          %dma_wait3A_340 = arith.constant 0 : i32
          %dma_wait3A_341 = tpu.memref_slice %arg4[%add3A_329, %dma_wait3A_340] : memref<819200x64xf32, #tpu.memory_space<hbm>> -> memref<128x64xf32, #tpu.memory_space<hbm>>
          %dma_wait3A_342 = arith.constant 0 : i32
          %dma_wait3A_343 = arith.constant 0 : i32
          %dma_wait3A_344 = tpu.memref_slice %arg6[%dma_wait3A_330, %dma_wait3A_342, %dma_wait3A_343] : memref<4x128x64xf32, #tpu.memory_space<vmem>> -> memref<1x128x64xf32, #tpu.memory_space<vmem>>
          %dma_wait3A_345 = tpu.memref_squeeze %dma_wait3A_344 : memref<1x128x64xf32, #tpu.memory_space<vmem>> -> memref<128x64xf32, #tpu.memory_space<vmem>>
          tpu.wait_dma2 semaphore(%dma_wait3A_339 : memref<!tpu.dma_semaphore, #tpu.memory_space<semaphore_mem>>) src(%dma_wait3A_345 : memref<128x64xf32, #tpu.memory_space<vmem>>) dst(%dma_wait3A_341 : memref<128x64xf32, #tpu.memory_space<hbm>>)
        } else {
        }
        %dma_start3A_312 = arith.constant 1 : i32
        %dma_start3A_313 = arith.constant 1 : i32
        %dma_start3A_314 = arith.constant 0 : i32
        %dma_start3A_315 = arith.constant 0 : i32
        %dma_start3A_316 = tpu.memref_slice %arg6[%dma_start3A_312, %dma_start3A_314, %dma_start3A_315] : memref<4x128x64xf32, #tpu.memory_space<vmem>> -> memref<1x128x64xf32, #tpu.memory_space<vmem>>
        %dma_start3A_317 = tpu.memref_squeeze %dma_start3A_316 : memref<1x128x64xf32, #tpu.memory_space<vmem>> -> memref<128x64xf32, #tpu.memory_space<vmem>>
        %dma_start3A_318 = arith.constant 0 : i32
        %dma_start3A_319 = tpu.memref_slice %arg5[%add3A_263, %dma_start3A_318] : memref<200x128xi32, #tpu.memory_space<vmem>> -> memref<1x128xi32, #tpu.memory_space<vmem>>
        %dma_start3A_320 = tpu.memref_squeeze %dma_start3A_319 : memref<1x128xi32, #tpu.memory_space<vmem>> -> memref<128xi32, #tpu.memory_space<vmem>>
        %dma_start3A_321 = arith.constant 0 : i32
        %dma_start3A_322 = arith.constant 0 : i32
        %dma_start3A_323 = tpu.memref_slice %arg3[%dma_start3A_321, %dma_start3A_322] : memref<1000000x64xf32, #tpu.memory_space<hbm>> -> memref<1000000x64xf32, #tpu.memory_space<hbm>>
        %dma_start3A_324 = tpu.memref_slice %arg7[%dma_start3A_313] : memref<4x!tpu.dma_semaphore, #tpu.memory_space<semaphore_mem>> -> memref<1x!tpu.dma_semaphore, #tpu.memory_space<semaphore_mem>>
        %dma_start3A_325 = tpu.memref_squeeze %dma_start3A_324 : memref<1x!tpu.dma_semaphore, #tpu.memory_space<semaphore_mem>> -> memref<!tpu.dma_semaphore, #tpu.memory_space<semaphore_mem>>
        tpu.enqueue_indirect_dma source(%dma_start3A_323 : memref<1000000x64xf32, #tpu.memory_space<hbm>>) target(%dma_start3A_317 : memref<128x64xf32, #tpu.memory_space<vmem>>) offsets(%dma_start3A_320 : memref<128xi32, #tpu.memory_space<vmem>>) semaphore(%dma_start3A_325 : memref<!tpu.dma_semaphore, #tpu.memory_space<semaphore_mem>>)
      } else {
      }
      %dma_wait3A_269 = arith.constant 3 : i32
      %dma_wait3A_270 = arith.constant 3 : i32
      %dma_wait3A_271 = arith.constant 0 : i32
      %dma_wait3A_272 = arith.constant 0 : i32
      %dma_wait3A_273 = tpu.memref_slice %arg6[%dma_wait3A_269, %dma_wait3A_271, %dma_wait3A_272] : memref<4x128x64xf32, #tpu.memory_space<vmem>> -> memref<1x128x64xf32, #tpu.memory_space<vmem>>
      %dma_wait3A_274 = tpu.memref_squeeze %dma_wait3A_273 : memref<1x128x64xf32, #tpu.memory_space<vmem>> -> memref<128x64xf32, #tpu.memory_space<vmem>>
      %dma_wait3A_275 = arith.constant 0 : i32
      %dma_wait3A_276 = tpu.memref_slice %arg5[%add3A_261, %dma_wait3A_275] : memref<200x128xi32, #tpu.memory_space<vmem>> -> memref<1x128xi32, #tpu.memory_space<vmem>>
      %dma_wait3A_277 = tpu.memref_squeeze %dma_wait3A_276 : memref<1x128xi32, #tpu.memory_space<vmem>> -> memref<128xi32, #tpu.memory_space<vmem>>
      %dma_wait3A_278 = arith.constant 0 : i32
      %dma_wait3A_279 = arith.constant 0 : i32
      %dma_wait3A_280 = tpu.memref_slice %arg3[%dma_wait3A_278, %dma_wait3A_279] : memref<1000000x64xf32, #tpu.memory_space<hbm>> -> memref<1000000x64xf32, #tpu.memory_space<hbm>>
      %dma_wait3A_281 = tpu.memref_slice %arg7[%dma_wait3A_270] : memref<4x!tpu.dma_semaphore, #tpu.memory_space<semaphore_mem>> -> memref<1x!tpu.dma_semaphore, #tpu.memory_space<semaphore_mem>>
      %dma_wait3A_282 = tpu.memref_squeeze %dma_wait3A_281 : memref<1x!tpu.dma_semaphore, #tpu.memory_space<semaphore_mem>> -> memref<!tpu.dma_semaphore, #tpu.memory_space<semaphore_mem>>
      tpu.wait_indirect_dma semaphore(%dma_wait3A_282 : memref<!tpu.dma_semaphore, #tpu.memory_space<semaphore_mem>>) src(%dma_wait3A_280 : memref<1000000x64xf32, #tpu.memory_space<hbm>>) dst(%dma_wait3A_274 : memref<128x64xf32, #tpu.memory_space<vmem>>)
      %scan3A_283 = arith.constant 0 : i32
      %scan3A_284 = arith.constant 0 : i32
      %scan3A_285 = arith.constant 128 : i32
      %scan3A_286 = arith.addi %scan3A_284, %scan3A_285 : i32
      %scan3A_287 = arith.constant 1 : i32
      scf.for %scan3A_308 = %scan3A_284 to %scan3A_286 step %scan3A_287  : i32 {
        %get3A = arith.constant 3 : i32
        %get3A_309 = arith.index_cast %get3A : i32 to index
        %get3A_310 = arith.index_cast %scan3A_308 : i32 to index
        %get3A_311 = arith.constant 0 : index
        %get3A_312 = tpu.vector_load %arg6[%get3A_309, %get3A_310, %get3A_311] {strides = array<i32>} : memref<4x128x64xf32, #tpu.memory_space<vmem>>, vector<1x1x16xf32>,
        %get3A_313 = vector.shape_cast %get3A_312 : vector<1x1x16xf32> to vector<16xf32>
        %mul3A_314 = arith.constant 8.000000e+00 : f32
        %mul3A_315 = vector.broadcast %mul3A_314 : f32 to vector<16xf32>
        %mul3A_316 = arith.mulf %get3A_313, %mul3A_315 : vector<16xf32>
        %swap3A = arith.constant 3 : i32
        %swap3A_317 = arith.index_cast %swap3A : i32 to index
        %swap3A_318 = arith.index_cast %scan3A_308 : i32 to index
        %swap3A_319 = arith.constant 0 : index
        %swap3A_320 = tpu.vector_load %arg6[%swap3A_317, %swap3A_318, %swap3A_319] {strides = array<i32>} : memref<4x128x64xf32, #tpu.memory_space<vmem>>, vector<1x1x16xf32>,
        %swap3A_321 = vector.shape_cast %swap3A_320 : vector<1x1x16xf32> to vector<16xf32>
        %swap3A_322 = vector.shape_cast %mul3A_316 : vector<16xf32> to vector<1x1x16xf32>
        tpu.vector_store %arg6[%swap3A_317, %swap3A_318, %swap3A_319], %swap3A_322 {strides = array<i32>} : memref<4x128x64xf32, #tpu.memory_space<vmem>>, vector<1x1x16xf32>,
        %get3A_323 = arith.constant 3 : i32
        %get3A_324 = arith.index_cast %get3A_323 : i32 to index
        %get3A_325 = arith.index_cast %scan3A_308 : i32 to index
        %get3A_326 = arith.constant 16 : index
        %get3A_327 = tpu.vector_load %arg6[%get3A_324, %get3A_325, %get3A_326] {strides = array<i32>} : memref<4x128x64xf32, #tpu.memory_space<vmem>>, vector<1x1x16xf32>,
        %get3A_328 = vector.shape_cast %get3A_327 : vector<1x1x16xf32> to vector<16xf32>
        %mul3A_329 = arith.constant 8.000000e+00 : f32
        %mul3A_330 = vector.broadcast %mul3A_329 : f32 to vector<16xf32>
        %mul3A_331 = arith.mulf %get3A_328, %mul3A_330 : vector<16xf32>
        %swap3A_332 = arith.constant 3 : i32
        %swap3A_333 = arith.index_cast %swap3A_332 : i32 to index
        %swap3A_334 = arith.index_cast %scan3A_308 : i32 to index
        %swap3A_335 = arith.constant 16 : index
        %swap3A_336 = tpu.vector_load %arg6[%swap3A_333, %swap3A_334, %swap3A_335] {strides = array<i32>} : memref<4x128x64xf32, #tpu.memory_space<vmem>>, vector<1x1x16xf32>,
        %swap3A_337 = vector.shape_cast %swap3A_336 : vector<1x1x16xf32> to vector<16xf32>
        %swap3A_338 = vector.shape_cast %mul3A_331 : vector<16xf32> to vector<1x1x16xf32>
        tpu.vector_store %arg6[%swap3A_333, %swap3A_334, %swap3A_335], %swap3A_338 {strides = array<i32>} : memref<4x128x64xf32, #tpu.memory_space<vmem>>, vector<1x1x16xf32>,
        %get3A_339 = arith.constant 3 : i32
        %get3A_340 = arith.index_cast %get3A_339 : i32 to index
        %get3A_341 = arith.index_cast %scan3A_308 : i32 to index
        %get3A_342 = arith.constant 32 : index
        %get3A_343 = tpu.vector_load %arg6[%get3A_340, %get3A_341, %get3A_342] {strides = array<i32>} : memref<4x128x64xf32, #tpu.memory_space<vmem>>, vector<1x1x16xf32>,
        %get3A_344 = vector.shape_cast %get3A_343 : vector<1x1x16xf32> to vector<16xf32>
        %mul3A_345 = arith.constant 8.000000e+00 : f32
        %mul3A_346 = vector.broadcast %mul3A_345 : f32 to vector<16xf32>
        %mul3A_347 = arith.mulf %get3A_344, %mul3A_346 : vector<16xf32>
        %swap3A_348 = arith.constant 3 : i32
        %swap3A_349 = arith.index_cast %swap3A_348 : i32 to index
        %swap3A_350 = arith.index_cast %scan3A_308 : i32 to index
        %swap3A_351 = arith.constant 32 : index
        %swap3A_352 = tpu.vector_load %arg6[%swap3A_349, %swap3A_350, %swap3A_351] {strides = array<i32>} : memref<4x128x64xf32, #tpu.memory_space<vmem>>, vector<1x1x16xf32>,
        %swap3A_353 = vector.shape_cast %swap3A_352 : vector<1x1x16xf32> to vector<16xf32>
        %swap3A_354 = vector.shape_cast %mul3A_347 : vector<16xf32> to vector<1x1x16xf32>
        tpu.vector_store %arg6[%swap3A_349, %swap3A_350, %swap3A_351], %swap3A_354 {strides = array<i32>} : memref<4x128x64xf32, #tpu.memory_space<vmem>>, vector<1x1x16xf32>,
        %get3A_355 = arith.constant 3 : i32
        %get3A_356 = arith.index_cast %get3A_355 : i32 to index
        %get3A_357 = arith.index_cast %scan3A_308 : i32 to index
        %get3A_358 = arith.constant 48 : index
        %get3A_359 = tpu.vector_load %arg6[%get3A_356, %get3A_357, %get3A_358] {strides = array<i32>} : memref<4x128x64xf32, #tpu.memory_space<vmem>>, vector<1x1x16xf32>,
        %get3A_360 = vector.shape_cast %get3A_359 : vector<1x1x16xf32> to vector<16xf32>
        %mul3A_361 = arith.constant 8.000000e+00 : f32
        %mul3A_362 = vector.broadcast %mul3A_361 : f32 to vector<16xf32>
        %mul3A_363 = arith.mulf %get3A_360, %mul3A_362 : vector<16xf32>
        %swap3A_364 = arith.constant 3 : i32
        %swap3A_365 = arith.index_cast %swap3A_364 : i32 to index
        %swap3A_366 = arith.index_cast %scan3A_308 : i32 to index
        %swap3A_367 = arith.constant 48 : index
        %swap3A_368 = tpu.vector_load %arg6[%swap3A_365, %swap3A_366, %swap3A_367] {strides = array<i32>} : memref<4x128x64xf32, #tpu.memory_space<vmem>>, vector<1x1x16xf32>,
        %swap3A_369 = vector.shape_cast %swap3A_368 : vector<1x1x16xf32> to vector<16xf32>
        %swap3A_370 = vector.shape_cast %mul3A_363 : vector<16xf32> to vector<1x1x16xf32>
        tpu.vector_store %arg6[%swap3A_365, %swap3A_366, %swap3A_367], %swap3A_370 {strides = array<i32>} : memref<4x128x64xf32, #tpu.memory_space<vmem>>, vector<1x1x16xf32>,
      }
      %scan3A_288 = arith.constant 128 : i32
      %mul3A_289 = arith.constant 128 : i32
      %mul3A_290 = arith.muli %add3A_261, %mul3A_289 : i32
      %add3A_291 = arith.addi %mul3A_2, %mul3A_290 : i32
      %dma_start3A_292 = arith.constant 3 : i32
      %dma_start3A_293 = arith.constant 3 : i32
      %dma_start3A_294 = arith.constant 0 : i32
      %dma_start3A_295 = arith.constant 0 : i32
      %dma_start3A_296 = tpu.memref_slice %arg6[%dma_start3A_292, %dma_start3A_294, %dma_start3A_295] : memref<4x128x64xf32, #tpu.memory_space<vmem>> -> memref<1x128x64xf32, #tpu.memory_space<vmem>>
      %dma_start3A_297 = tpu.memref_squeeze %dma_start3A_296 : memref<1x128x64xf32, #tpu.memory_space<vmem>> -> memref<128x64xf32, #tpu.memory_space<vmem>>
      %dma_start3A_298 = arith.constant 0 : i32
      %dma_start3A_299 = tpu.memref_slice %arg4[%add3A_291, %dma_start3A_298] : memref<819200x64xf32, #tpu.memory_space<hbm>> -> memref<128x64xf32, #tpu.memory_space<hbm>>
      %dma_start3A_300 = tpu.memref_slice %arg8[%dma_start3A_293] : memref<4x!tpu.dma_semaphore, #tpu.memory_space<semaphore_mem>> -> memref<1x!tpu.dma_semaphore, #tpu.memory_space<semaphore_mem>>
      %dma_start3A_301 = tpu.memref_squeeze %dma_start3A_300 : memref<1x!tpu.dma_semaphore, #tpu.memory_space<semaphore_mem>> -> memref<!tpu.dma_semaphore, #tpu.memory_space<semaphore_mem>>
      %dma_start3A_302 = arith.constant 0 : i32
      %dma_start3A_303 = tpu.memref_slice %arg4[%add3A_291, %dma_start3A_302] : memref<819200x64xf32, #tpu.memory_space<hbm>> -> memref<128x64xf32, #tpu.memory_space<hbm>>
      %dma_start3A_304 = arith.constant 0 : i32
      %dma_start3A_305 = arith.constant 0 : i32
      %dma_start3A_306 = tpu.memref_slice %arg6[%dma_start3A_292, %dma_start3A_304, %dma_start3A_305] : memref<4x128x64xf32, #tpu.memory_space<vmem>> -> memref<1x128x64xf32, #tpu.memory_space<vmem>>
      %dma_start3A_307 = tpu.memref_squeeze %dma_start3A_306 : memref<1x128x64xf32, #tpu.memory_space<vmem>> -> memref<128x64xf32, #tpu.memory_space<vmem>>
      tpu.enqueue_dma source(%dma_start3A_307 : memref<128x64xf32, #tpu.memory_space<vmem>>) target(%dma_start3A_303 : memref<128x64xf32, #tpu.memory_space<hbm>>) target_semaphore(%dma_start3A_301 : memref<!tpu.dma_semaphore, #tpu.memory_space<semaphore_mem>>)
    }
    %scan3A_38 = arith.constant 50 : i32
    %add3A_39 = arith.constant 25088 : i32
    %add3A_40 = arith.addi %mul3A_2, %add3A_39 : i32
    %dma_wait3A = arith.constant 0 : i32
    %dma_wait3A_41 = arith.constant 0 : i32
    %dma_wait3A_42 = arith.constant 0 : i32
    %dma_wait3A_43 = arith.constant 0 : i32
    %dma_wait3A_44 = tpu.memref_slice %arg6[%dma_wait3A, %dma_wait3A_42, %dma_wait3A_43] : memref<4x128x64xf32, #tpu.memory_space<vmem>> -> memref<1x128x64xf32, #tpu.memory_space<vmem>>
    %dma_wait3A_45 = tpu.memref_squeeze %dma_wait3A_44 : memref<1x128x64xf32, #tpu.memory_space<vmem>> -> memref<128x64xf32, #tpu.memory_space<vmem>>
    %dma_wait3A_46 = arith.constant 0 : i32
    %dma_wait3A_47 = tpu.memref_slice %arg4[%add3A_40, %dma_wait3A_46] : memref<819200x64xf32, #tpu.memory_space<hbm>> -> memref<128x64xf32, #tpu.memory_space<hbm>>
    %dma_wait3A_48 = tpu.memref_slice %arg8[%dma_wait3A_41] : memref<4x!tpu.dma_semaphore, #tpu.memory_space<semaphore_mem>> -> memref<1x!tpu.dma_semaphore, #tpu.memory_space<semaphore_mem>>
    %dma_wait3A_49 = tpu.memref_squeeze %dma_wait3A_48 : memref<1x!tpu.dma_semaphore, #tpu.memory_space<semaphore_mem>> -> memref<!tpu.dma_semaphore, #tpu.memory_space<semaphore_mem>>
    %dma_wait3A_50 = arith.constant 0 : i32
    %dma_wait3A_51 = tpu.memref_slice %arg4[%add3A_40, %dma_wait3A_50] : memref<819200x64xf32, #tpu.memory_space<hbm>> -> memref<128x64xf32, #tpu.memory_space<hbm>>
    %dma_wait3A_52 = arith.constant 0 : i32
    %dma_wait3A_53 = arith.constant 0 : i32
    %dma_wait3A_54 = tpu.memref_slice %arg6[%dma_wait3A, %dma_wait3A_52, %dma_wait3A_53] : memref<4x128x64xf32, #tpu.memory_space<vmem>> -> memref<1x128x64xf32, #tpu.memory_space<vmem>>
    %dma_wait3A_55 = tpu.memref_squeeze %dma_wait3A_54 : memref<1x128x64xf32, #tpu.memory_space<vmem>> -> memref<128x64xf32, #tpu.memory_space<vmem>>
    tpu.wait_dma2 semaphore(%dma_wait3A_49 : memref<!tpu.dma_semaphore, #tpu.memory_space<semaphore_mem>>) src(%dma_wait3A_55 : memref<128x64xf32, #tpu.memory_space<vmem>>) dst(%dma_wait3A_51 : memref<128x64xf32, #tpu.memory_space<hbm>>)
    %add3A_56 = arith.constant 25216 : i32
    %add3A_57 = arith.addi %mul3A_2, %add3A_56 : i32
    %dma_wait3A_58 = arith.constant 1 : i32
    %dma_wait3A_59 = arith.constant 1 : i32
    %dma_wait3A_60 = arith.constant 0 : i32
    %dma_wait3A_61 = arith.constant 0 : i32
    %dma_wait3A_62 = tpu.memref_slice %arg6[%dma_wait3A_58, %dma_wait3A_60, %dma_wait3A_61] : memref<4x128x64xf32, #tpu.memory_space<vmem>> -> memref<1x128x64xf32, #tpu.memory_space<vmem>>
    %dma_wait3A_63 = tpu.memref_squeeze %dma_wait3A_62 : memref<1x128x64xf32, #tpu.memory_space<vmem>> -> memref<128x64xf32, #tpu.memory_space<vmem>>
    %dma_wait3A_64 = arith.constant 0 : i32
    %dma_wait3A_65 = tpu.memref_slice %arg4[%add3A_57, %dma_wait3A_64] : memref<819200x64xf32, #tpu.memory_space<hbm>> -> memref<128x64xf32, #tpu.memory_space<hbm>>
    %dma_wait3A_66 = tpu.memref_slice %arg8[%dma_wait3A_59] : memref<4x!tpu.dma_semaphore, #tpu.memory_space<semaphore_mem>> -> memref<1x!tpu.dma_semaphore, #tpu.memory_space<semaphore_mem>>
    %dma_wait3A_67 = tpu.memref_squeeze %dma_wait3A_66 : memref<1x!tpu.dma_semaphore, #tpu.memory_space<semaphore_mem>> -> memref<!tpu.dma_semaphore, #tpu.memory_space<semaphore_mem>>
    %dma_wait3A_68 = arith.constant 0 : i32
    %dma_wait3A_69 = tpu.memref_slice %arg4[%add3A_57, %dma_wait3A_68] : memref<819200x64xf32, #tpu.memory_space<hbm>> -> memref<128x64xf32, #tpu.memory_space<hbm>>
    %dma_wait3A_70 = arith.constant 0 : i32
    %dma_wait3A_71 = arith.constant 0 : i32
    %dma_wait3A_72 = tpu.memref_slice %arg6[%dma_wait3A_58, %dma_wait3A_70, %dma_wait3A_71] : memref<4x128x64xf32, #tpu.memory_space<vmem>> -> memref<1x128x64xf32, #tpu.memory_space<vmem>>
    %dma_wait3A_73 = tpu.memref_squeeze %dma_wait3A_72 : memref<1x128x64xf32, #tpu.memory_space<vmem>> -> memref<128x64xf32, #tpu.memory_space<vmem>>
    tpu.wait_dma2 semaphore(%dma_wait3A_67 : memref<!tpu.dma_semaphore, #tpu.memory_space<semaphore_mem>>) src(%dma_wait3A_73 : memref<128x64xf32, #tpu.memory_space<vmem>>) dst(%dma_wait3A_69 : memref<128x64xf32, #tpu.memory_space<hbm>>)
    %add3A_74 = arith.constant 25344 : i32
    %add3A_75 = arith.addi %mul3A_2, %add3A_74 : i32
    %dma_wait3A_76 = arith.constant 2 : i32
    %dma_wait3A_77 = arith.constant 2 : i32
    %dma_wait3A_78 = arith.constant 0 : i32
    %dma_wait3A_79 = arith.constant 0 : i32
    %dma_wait3A_80 = tpu.memref_slice %arg6[%dma_wait3A_76, %dma_wait3A_78, %dma_wait3A_79] : memref<4x128x64xf32, #tpu.memory_space<vmem>> -> memref<1x128x64xf32, #tpu.memory_space<vmem>>
    %dma_wait3A_81 = tpu.memref_squeeze %dma_wait3A_80 : memref<1x128x64xf32, #tpu.memory_space<vmem>> -> memref<128x64xf32, #tpu.memory_space<vmem>>
    %dma_wait3A_82 = arith.constant 0 : i32
    %dma_wait3A_83 = tpu.memref_slice %arg4[%add3A_75, %dma_wait3A_82] : memref<819200x64xf32, #tpu.memory_space<hbm>> -> memref<128x64xf32, #tpu.memory_space<hbm>>
    %dma_wait3A_84 = tpu.memref_slice %arg8[%dma_wait3A_77] : memref<4x!tpu.dma_semaphore, #tpu.memory_space<semaphore_mem>> -> memref<1x!tpu.dma_semaphore, #tpu.memory_space<semaphore_mem>>
    %dma_wait3A_85 = tpu.memref_squeeze %dma_wait3A_84 : memref<1x!tpu.dma_semaphore, #tpu.memory_space<semaphore_mem>> -> memref<!tpu.dma_semaphore, #tpu.memory_space<semaphore_mem>>
    %dma_wait3A_86 = arith.constant 0 : i32
    %dma_wait3A_87 = tpu.memref_slice %arg4[%add3A_75, %dma_wait3A_86] : memref<819200x64xf32, #tpu.memory_space<hbm>> -> memref<128x64xf32, #tpu.memory_space<hbm>>
    %dma_wait3A_88 = arith.constant 0 : i32
    %dma_wait3A_89 = arith.constant 0 : i32
    %dma_wait3A_90 = tpu.memref_slice %arg6[%dma_wait3A_76, %dma_wait3A_88, %dma_wait3A_89] : memref<4x128x64xf32, #tpu.memory_space<vmem>> -> memref<1x128x64xf32, #tpu.memory_space<vmem>>
    %dma_wait3A_91 = tpu.memref_squeeze %dma_wait3A_90 : memref<1x128x64xf32, #tpu.memory_space<vmem>> -> memref<128x64xf32, #tpu.memory_space<vmem>>
    tpu.wait_dma2 semaphore(%dma_wait3A_85 : memref<!tpu.dma_semaphore, #tpu.memory_space<semaphore_mem>>) src(%dma_wait3A_91 : memref<128x64xf32, #tpu.memory_space<vmem>>) dst(%dma_wait3A_87 : memref<128x64xf32, #tpu.memory_space<hbm>>)
    %add3A_92 = arith.constant 25472 : i32
    %add3A_93 = arith.addi %mul3A_2, %add3A_92 : i32
    %dma_wait3A_94 = arith.constant 3 : i32
    %dma_wait3A_95 = arith.constant 3 : i32
    %dma_wait3A_96 = arith.constant 0 : i32
    %dma_wait3A_97 = arith.constant 0 : i32
    %dma_wait3A_98 = tpu.memref_slice %arg6[%dma_wait3A_94, %dma_wait3A_96, %dma_wait3A_97] : memref<4x128x64xf32, #tpu.memory_space<vmem>> -> memref<1x128x64xf32, #tpu.memory_space<vmem>>
    %dma_wait3A_99 = tpu.memref_squeeze %dma_wait3A_98 : memref<1x128x64xf32, #tpu.memory_space<vmem>> -> memref<128x64xf32, #tpu.memory_space<vmem>>
    %dma_wait3A_100 = arith.constant 0 : i32
    %dma_wait3A_101 = tpu.memref_slice %arg4[%add3A_93, %dma_wait3A_100] : memref<819200x64xf32, #tpu.memory_space<hbm>> -> memref<128x64xf32, #tpu.memory_space<hbm>>
    %dma_wait3A_102 = tpu.memref_slice %arg8[%dma_wait3A_95] : memref<4x!tpu.dma_semaphore, #tpu.memory_space<semaphore_mem>> -> memref<1x!tpu.dma_semaphore, #tpu.memory_space<semaphore_mem>>
    %dma_wait3A_103 = tpu.memref_squeeze %dma_wait3A_102 : memref<1x!tpu.dma_semaphore, #tpu.memory_space<semaphore_mem>> -> memref<!tpu.dma_semaphore, #tpu.memory_space<semaphore_mem>>
    %dma_wait3A_104 = arith.constant 0 : i32
    %dma_wait3A_105 = tpu.memref_slice %arg4[%add3A_93, %dma_wait3A_104] : memref<819200x64xf32, #tpu.memory_space<hbm>> -> memref<128x64xf32, #tpu.memory_space<hbm>>
    %dma_wait3A_106 = arith.constant 0 : i32
    %dma_wait3A_107 = arith.constant 0 : i32
    %dma_wait3A_108 = tpu.memref_slice %arg6[%dma_wait3A_94, %dma_wait3A_106, %dma_wait3A_107] : memref<4x128x64xf32, #tpu.memory_space<vmem>> -> memref<1x128x64xf32, #tpu.memory_space<vmem>>
    %dma_wait3A_109 = tpu.memref_squeeze %dma_wait3A_108 : memref<1x128x64xf32, #tpu.memory_space<vmem>> -> memref<128x64xf32, #tpu.memory_space<vmem>>
    tpu.wait_dma2 semaphore(%dma_wait3A_103 : memref<!tpu.dma_semaphore, #tpu.memory_space<semaphore_mem>>) src(%dma_wait3A_109 : memref<128x64xf32, #tpu.memory_space<vmem>>) dst(%dma_wait3A_105 : memref<128x64xf32, #tpu.memory_space<hbm>>)
    return
  }
}

</mosaic_0001>

<sc_bundles>
// kernel: kernel.3.cloned.1.call-start
scs
__scs_entry_jumppad:
0x0: {  	(pc) =	sbr.rel $0x88, $3  }
0x1: {  	(tag) =	ssettag $0x0;
	lr =	simm.s32 $0x1  }
0x2: {  	[smem:$0x3F9F] =	sst lr;
	_ =	strace $0xD0000000  }
0x3: {  	_ = 	snop  }
0x4: {  	_ = 	snop  }
0x5: {  	_ = 	snop  }
0x6: {  	_ = 	snop  }
0x7: {  	_ = 	snop  }
__scs_overlays_trampoline_lowered:
0x8: {  	[smem:$0x3FAE] =	sst s0  }
0x9: {  	[smem:$0x3FAF] =	sst s1  }
0xa: {  	[smem:$0x3FB0] =	sst s2  }
0xb: {  	[smem:$0x3FB1] =	sst s3  }
0xc: {  	[smem:$0x3FB2] =	sst s4  }
0xd: {  	[smem:$0x3FB3] =	sst s5  }
0xe: {  	[smem:$0x3FB4] =	sst s6  }
0xf: {  	[smem:$0x3FB5] =	sst s7  }
0x10: {  	[smem:$0x3FB6] =	sst s8  }
0x11: {  	[smem:$0x3FB7] =	sst s9;
	s0 =	simm.s32 @!p0 $0x0  }
0x12: {  	s1 =	sld [smem:$0x3F9D];
	s0 =	simm.s32 @p0 $0x1  }
0x13: {  	[smem:$0x3FB8] =	sst s0;
	s0 =	simm.s32 @!p1 $0x0  }
0x14: {  	s2 =	sld [smem:$0x3F9C];
	s0 =	simm.s32 @p1 $0x1  }
0x15: {  	[smem:$0x3FB9] =	sst s0;
	s0 =	simm.s32 @!p2 $0x0  }
0x16: {  	s3 =	sld [smem:$0x3FDB];
	s0 =	simm.s32 @p2 $0x1  }
0x17: {  	s4 =	simm.s32 $0x1BF5;
	[smem:$0x3FBB] =	sst s0  }
0x18: {  	s0 =	sld [smem:$0x3F9E];
	_ =	swait.ge [sflag:s4], $0x0  }
0x19: {  	s7 =	sld [smem:$0x3F9F]  }
0x1a: {  	s8 =	sadd.s32 $0xFFFFE003, lr  }
0x1b: {  	s9 =	sadd.s32 $0xFFFFFEF7, lr;
	s5 =	simm.s32 $0xFFFFFFFF;
	p2 =	slt.u32 s8, $0xFFFFF086  }
0x1c: {  	p1 =	slt.u32 s9, $0xF7A;
	s5 =	simm.s32 @!p2 $0x0  }
0x1d: {  	s5 =	simm.s32 @p1 $0x1;
	p0 =	seq.s32 s7, s2  }
0x1e: {  	s7 =	smul.u32 @!p0 $0xF7A, s2;
	p2 =	seq.s32 @!p0 s5, $0x0  }
0x1f: {  	s9 =	smul.u32 $0xF7A, s1;
	s8 =	simm.s32 @!p0 $0x1BF5;
	p2 =	por !p2, p0  }
0x20: {  	[sflag:s8] =	ssyncset.s32 @!p0 $0xFFFFF086;
	s6 =	sadd.s32 @!p0 s3, s7;
	s7 =	simm.s32 @!p0 $0x108  }
0x21: {  	s3 =	sadd.s32 s3, s9;
	s6 =	sadd.s32 @!p0 $0x88, s6;
	s7 =	simm.s32 @p2 $0x1082  }
0x22: {  	[simem:s7], [sflag:s8] =	dma.local @!p0 [hbm:s6], $0xF7A  }
0x23: {  	s9 =	sor.u32 $0xD0000000, s2;
	s6 =	simm.s32 $0x108;
	_ =	swait.ge @!p0 [sflag:s8], $0x0  }
0x24: {  	s3 =	sadd.s32 $0x88, s3;
	s6 =	simm.s32 @!p1 $0x1082;
	[sflag:s4] =	ssyncset.s32 $0xFFFFF086  }
0x25: {  	[simem:s6], [sflag:s4] =	dma.local [hbm:s3], $0xF7A  }
0x26: {  	[smem:$0x3F9F] =	sst s1;
	(tag) =	ssettag s2;
	_ =	strace s9  }
0x27: {  	s1 =	sld [smem:$0x3FAF]  }
0x28: {  	s2 =	sld [smem:$0x3FB0]  }
0x29: {  	s4 =	sld [smem:$0x3FB2]  }
0x2a: {  	p0 =	seq.s32 s5, $0x0;
	s5 =	sld [smem:$0x3FB3]  }
0x2b: {  	s6 =	sld [smem:$0x3FB4]  }
0x2c: {  	s7 =	sld [smem:$0x3FB5]  }
0x2d: {  	s3 =	simm.s32 $0x108;
	s8 =	sld [smem:$0x3FB6]  }
0x2e: {  	s3 =	simm.s32 @!p0 $0x1082;
	s9 =	sld [smem:$0x3FB7]  }
0x2f: {  	lr =	sadd.s32 s0, s3;
	s0 =	sld [smem:$0x3FAE]  }
0x30: {  	s3 =	sld [smem:$0x3FB1]  }
0x31: {  	[smem:$0x3FBA] =	sst s10  }
0x32: {  	s10 =	sld [smem:$0x3FB8];
	_ =	sdelay $0x3  }
0x33: {  	p0 =	seq.s32 s10, $0x1;
	s10 =	sld [smem:$0x3FBA];
	_ =	sdelay $0x3  }
0x34: {  	[smem:$0x3FBA] =	sst s10  }
0x35: {  	s10 =	sld [smem:$0x3FB9];
	_ =	sdelay $0x3  }
0x36: {  	p1 =	seq.s32 s10, $0x1;
	s10 =	sld [smem:$0x3FBA];
	_ =	sdelay $0x3  }
0x37: {  	[smem:$0x3FBA] =	sst s10  }
0x38: {  	s10 =	sld [smem:$0x3FBB]  }
0x39: {  	_ = 	snop;
	(pc) =	sbr.ind lr, $3  }
0x3a: {  	_ = 	snop  }
0x3b: {  	_ = 	snop  }
0x3c: {  	p2 =	seq.s32 s10, $0x1;
	s10 =	sld [smem:$0x3FBA]  }
0x3d: {  	_ =	shalt  }
0x3e: {  	_ =	shalt  }
0x3f: {  	_ =	shalt  }
0x40: {  	_ =	shalt  }
0x41: {  	_ =	shalt  }
0x42: {  	_ =	shalt  }
0x43: {  	_ =	shalt  }
0x44: {  	_ =	shalt  }
0x45: {  	_ =	shalt  }
0x46: {  	_ =	shalt  }
0x47: {  	_ =	shalt  }
0x48: {  	_ =	shalt  }
0x49: {  	_ =	shalt  }
0x4a: {  	_ =	shalt  }
0x4b: {  	_ =	shalt  }
0x4c: {  	_ =	shalt  }
0x4d: {  	_ =	shalt  }
0x4e: {  	_ =	shalt  }
0x4f: {  	_ =	shalt  }
0x50: {  	_ =	shalt  }
0x51: {  	_ =	shalt  }
0x52: {  	_ =	shalt  }
0x53: {  	_ =	shalt  }
0x54: {  	_ =	shalt  }
0x55: {  	_ =	shalt  }
0x56: {  	_ =	shalt  }
0x57: {  	_ =	shalt  }
0x58: {  	_ =	shalt  }
0x59: {  	_ =	shalt  }
0x5a: {  	_ =	shalt  }
0x5b: {  	_ =	shalt  }
0x5c: {  	_ =	shalt  }
0x5d: {  	_ =	shalt  }
0x5e: {  	_ =	shalt  }
0x5f: {  	_ =	shalt  }
0x60: {  	_ =	shalt  }
0x61: {  	_ =	shalt  }
0x62: {  	_ =	shalt  }
0x63: {  	_ =	shalt  }
0x64: {  	_ =	shalt  }
0x65: {  	_ =	shalt  }
0x66: {  	_ =	shalt  }
0x67: {  	_ =	shalt  }
0x68: {  	_ =	shalt  }
0x69: {  	_ =	shalt  }
0x6a: {  	_ =	shalt  }
0x6b: {  	_ =	shalt  }
0x6c: {  	_ =	shalt  }
0x6d: {  	_ =	shalt  }
0x6e: {  	_ =	shalt  }
0x6f: {  	_ =	shalt  }
0x70: {  	_ =	shalt  }
0x71: {  	_ =	shalt  }
0x72: {  	_ =	shalt  }
0x73: {  	_ =	shalt  }
0x74: {  	_ =	shalt  }
0x75: {  	_ =	shalt  }
0x76: {  	_ =	shalt  }
0x77: {  	_ =	shalt  }
0x78: {  	_ =	shalt  }
0x79: {  	_ =	shalt  }
0x7a: {  	_ =	shalt  }
0x7b: {  	_ =	shalt  }
0x7c: {  	_ =	shalt  }
0x7d: {  	_ =	shalt  }
0x7e: {  	_ =	shalt  }
0x7f: {  	_ =	shalt  }
0x80: {  	_ =	shalt  }
0x81: {  	_ =	shalt  }
0x82: {  	_ =	shalt  }
0x83: {  	_ =	shalt  }
0x84: {  	_ =	shalt  }
0x85: {  	_ =	shalt  }
0x86: {  	_ =	shalt  }
0x87: {  	_ =	shalt  }
.Lfunc_end0:
.L_simem_size_0:
called_computation.1_lowered:
.L_overlay_start_0:
0x88: {  	s2 =	sld [smem:$0x3FD9]  }
0x89: {  	s3 =	sld [smem:$0x3FFE];
	_ =	sdelay $0x1  }
0x8a: {  	s1 =	srdreg.scid  }
0x8b: {  	s0 =	sand.u32 $0x1, s1  }
0x8c: {  	s17 =	sshll.u32 s0, $0xA;
	s2 =	sadd.s32 s3, s2  }
0x8d: {  	s2 =	sadd.s32 s2, s17  }
0x8e: {  	[smem:$0x3FC6] =	sst s2  }
0x8f: {  	_ = 	snop  }
0x90: {  	s2 =	sld [smem:$0x3FD0];
	(tm) =	ssettm $0x1  }
0x91: {  	s18 =	sld [smem:$0x3FFB];
	_ =	sdelay $0x3  }
0x92: {  	_ =	strace s18  }
0x93: {  	s3 =	sld [smem:$0x3FFC];
	_ =	sdelay $0x3  }
0x94: {  	_ =	strace s3  }
0x95: {  	s3 =	sld [smem:$0x3FFD];
	_ =	sdelay $0x3  }
0x96: {  	_ =	strace s3  }
0x97: {  	_ =	strace $0x8FFFFFFF  }
0x98: {  	s19 =	sld [smem:$0x3FDB];
	_ =	sdelay $0x1  }
0x99: {  	s4 =	simm.s32 $_scs_section_size  }
0x9a: {  	s5 =	simm.s32 $_size__tile_overlayer_lowered;
	s6 =	simm.s32 $_tile_overlayer_lowered  }
0x9b: {  	s22 =	simm.s32 $0x1BFF;
	s21 =	sshll.u32 s6, $0x1;
	s3 =	sadd.s32 s4, s19  }
0x9c: {  	s7 =	simm.s32 $0x0;
	s20 =	sshll.u32 s5, $0x1;
	s5 =	sadd.s32 s21, s3  }
0x9d: {  	[timem:s7], [sflag:s22] =	dma.local [hbm:s5], s20  }
0x9e: {  	_ =	swait.ge [sflag:s22], s20  }
0x9f: {  	s4 =	ssub.s32 $0x0, s20;
	[sflag:s22] =	ssyncset.done $0x0  }
0xa0: {  	[sflag:s22] =	ssyncadd.s32 s4;
	_ =	sdelay $0x1  }
0xa1: {  	s23 =	simm.s32 $0x1B8B  }
0xa2: {  	_ =	swait.ge [sflag:s23], $0x1  }
0xa3: {  	[sflag:s23] =	ssyncset.done $0x0  }
0xa4: {  	s25 =	simm.s32 $0x1B8E;
	s24 =	sld [smem:$0x3FFE];
	[sflag:s23] =	ssyncadd.s32 $0xFFFFFFFF  }
0xa5: {  	s26 =	simm.s32 $execute0_lowered;
	[smem:$0x3FD2] =	sst s25  }
0xa6: {  	s5 =	sshll.u32 s26, $0x1;
	_ =	strace $0x80000046;
	[dreg:$0x1] =	wrdreg $0xFFFFFFFF  }
0xa7: {  	s28 =	simm.s32 $_size_execute0_lowered;
	s3 =	sadd.s32 s3, s5;
	[dreg:$0x0] =	wrdreg $0x0  }
0xa8: {  	s5 =	sshll.u32 s28, $0x1;
	[dreg:$0x2] =	wrdreg s3  }
0xa9: {  	[dreg:$0x3] =	wrdreg s5  }
0xaa: {  	[dreg:$0x4] =	wrdreg $0xC0  }
0xab: {  	_ =	task [dreg:s7], $0x5FFFF  }
0xac: {  	[dreg:$0x1] =	wrdreg $0xFFFFFFFF  }
0xad: {  	[dreg:$0x0] =	wrdreg $0x60  }
0xae: {  	[dreg:$0x2] =	wrdreg s24  }
0xaf: {  	[dreg:$0x3] =	wrdreg s2  }
0xb0: {  	[dreg:$0x4] =	wrdreg $0x9  }
0xb1: {  	_ =	task.clear_ibuf [dreg:s7], $0x5FFFF;
	_ =	strace $0x90000046  }
0xb2: {  	s29 =	simm.s32 $0x9;
	_ =	strace $0x80000048  }
0xb3: {  	_ =	swait.ge [sflag:s29], $0x1  }
0xb4: {  	[sflag:s29] =	ssyncadd.s32 $0xFFFFFFFF  }
0xb5: {  	_ =	strace $0x90000048  }
0xb6: {  	_ =	sfence  }
0xb7: {  	s30 =	sld [smem:$0x0];
	_ =	sdelay $0x2  }
0xb8: {  	s31 =	sshll.u32 s1, $0xD;
	s1 =	sshrl.u32 s1, $0x2  }
0xb9: {  	s3 =	sand.u32 $0x4000, s31;
	s1 =	sadd.s32 s1, s30  }
0xba: {  	s0 =	sor.u32 s3, s0;
	s1 =	sshll.u32 s1, $0x11  }
0xbb: {  	s0 =	sor.u32 s1, s0  }
0xbc: {  	s0 =	sadd.s32 $0x8F2B, s0  }
0xbd: {  	[sflag:s0] =	ssyncadd.remote.s32 $0x1  }
0xbe: {  	_ =	sfence.sel $0xFFFF  }
0xbf: {  	[dreg:$0x0] =	wrdreg $0xFFFFFFFF;
	(pc) =	sbr.abs _section_cstart, $3  }
0xc0: {  	[dreg:$0x1] =	wrdreg $0xFFFFFFFF  }
0xc1: {  	_ =	task.clear_ibuf [dreg:s7], $0x2FFFF;
	_ =	strace $0x9FFFFFFF  }
0xc2: {  	(tm) =	ssettm $0x7FFFFFFF  }
0xc3: {  	_ =	shalt  }
tec
execute0_lowered:
.L_overlay_start_1:
0x0: {  	(tag) =	ssettag $0x1  }
0x1: {  	s4 =	rddreg [dreg:$0x0];
	s1 =	srdreg.scid  }
0x2: {  	s0 =	stileid.u32;
	s2 =	rddreg [dreg:$0x1];
	s3 =	simm.s32 $0x0  }
0x3: {  	s10 =	simm.s32 $0x80;
	s11 =	simm.s32 $0x6400;
	s12 =	simm.s32 $0x8400  }
0x4: {  	s13 =	simm.s32 $0xA400;
	s14 =	simm.s32 $0x1;
	s15 =	simm.s32 $0xC400  }
0x5: {  	s16 =	simm.s32 $0x2;
	s17 =	simm.s32 $0x3;
	s18 =	simm.s32 $0x4  }
0x6: {  	s19 =	simm.s32 $0x5;
	s20 =	simm.s32 $0x6;
	s21 =	simm.s32 $0x7  }
0x7: {  	s22 =	simm.s32 $0x8;
	s5 =	sand.u32 $0x1, s1;
	s6 =	sshll.u32 s0, $0x1  }
0x8: {  	s23 =	simm.s32 $0x0;
	s1 =	rddreg [dreg:$0x2];
	s6 =	sor.u32 s5, s6  }
0x9: {  	[smem:$0x7FF] =	sst s3;
	s5 =	ssub.s32 $0x2, s5;
	s7 =	smul.u32 $0xC80, s6  }
0xa: {  	_ =	strace $0x80000047;
	s8 =	smul.u32 $0x32000, s6;
	s9 =	sshrl.u32 s5, $0x1  }
0xb: {  	s6 =	smul.u32 $0x190000, s6;
	s9 =	ssub.s32 s5, s9;
	s7 =	sadd.s32 s7, s4  }
0xc: {  	s4 =	sadd.s32 $0xF42E00, s4;
	s8 =	sadd.s32 s8, s2;
	s5 =	sadd.s32 $0xA00, s7  }
0xd: {  	s7 =	smax.u32 s9, $0x1;
	s8 =	sadd.s32 $0x400, s8;
	s9 =	simm.s32 $0x9  }
.LBB2_1:
0xe: {  	[tilespmem:s3], [sflag:$0x9] =	stream.linear.gather [hbm4b:s5+s3], $0x6400, $0x38;
	[tilespmem:$0xE400] =	vst v63  }
0xf: {  	_ =	swait.ge [sflag:s9], $0x6400  }
0x10: {  	[sflag:s9] =	ssyncset.done $0x0  }
0x11: {  	[sflag:s9] =	ssyncadd.s32 $0xFFFF9C00  }
0x12: {  	[tilespmem:s11], [sflag:$0x1] =	stream.indirect.gather [hbm4b:s4+s10], $0x40, s3, s10, $0xb8;
	[tilespmem:$0xE400] =	vst v63  }
0x13: {  	s24 =	simm.s32 $0x0  }
0x14: {  	[tilespmem:s12], [sflag:$0x2] =	stream.indirect.gather [hbm4b:s4+s10], $0x40, s10, s10, $0xb8;
	[tilespmem:$0xE400] =	vst v63  }
.LBB2_2:
0x15: {  	p0 =	seq.s32 s24, $0x0  }
0x16: {  	s26 =	sshll.u32 s24, $0x2;
	s28 =	simm.s32 @!p0 $0x7  }
0x17: {  	s25 =	sor.u32 $0x2, s26;
	_ =	swait.ge @!p0 [sflag:s28], $0x2000  }
0x18: {  	s29 =	sshll.u32 s25, $0x7;
	[sflag:s28] =	ssyncset.done @!p0 $0x0  }
0x19: {  	[sflag:s28] =	ssyncadd.s32 @!p0 $0xFFFFE000;
	s28 =	sand.u32 $0x3FFFFF80, s29  }
0x1a: {  	[tilespmem:s13], [sflag:$0x3] =	stream.indirect.gather [hbm4b:s4+s10], $0x40, s28, s10, $0xb8;
	[tilespmem:$0xE400] =	vst v63  }
0x1b: {  	_ =	swait.ge [sflag:s14], $0x2000  }
0x1c: {  	[sflag:s14] =	ssyncset.done $0x0  }
0x1d: {  	s28 =	simm.s32 $0x0;
	[sflag:s14] =	ssyncadd.s32 $0xFFFFE000  }
0x1e: {  	v0 =	vld [tilespmem:s28+$0x6400]  }
0x1f: {  	v2 =	vld [tilespmem:s28+$0x6410]  }
0x20: {  	s29 =	simm.s32 $0x100;
	v1 =	vld [tilespmem:s28+$0x6420]  }
.LBB2_3:
0x21: {  	p1 =	sne.s32 s29, $0x7F00;
	v3 =	vld [tilespmem:s28+$0x6430];
	_ =	sdelay $0x1  }
0x22: {  	v0 =	vmul.f32 $8.000000000e+00, v0  }
.Ltmp0:
0x23: {  	v2 =	vmul.f32 $8.000000000e+00, v2;
	(pc) =	sbr.rel @p1 .LBB2_3-.Ltmp0, $4  }
0x24: {  	s30 =	sshra.s32 s29, $0x2;
	[tilespmem:s28+$0x6400] =	vst v0;
	v1 =	vmul.f32 $8.000000000e+00, v1  }
0x25: {  	v0 =	vld [tilespmem:s30+$0x6400];
	[tilespmem:s28+$0x6410] =	vst v2;
	v3 =	vmul.f32 $8.000000000e+00, v3  }
0x26: {  	v2 =	vld [tilespmem:s30+$0x6410];
	[tilespmem:s28+$0x6420] =	vst v1  }
0x27: {  	s29 =	sadd.s32 $0x100, s29;
	v1 =	vld [tilespmem:s30+$0x6420];
	[tilespmem:s28+$0x6430] =	vst v3;
	s28 =	smov.u32 s30  }
0x28: {  	v3 =	vld [tilespmem:s28+$0x6430];
	_ =	sdelay $0x1  }
0x29: {  	v0 =	vmul.f32 $8.000000000e+00, v0  }
0x2a: {  	v2 =	vmul.f32 $8.000000000e+00, v2  }
0x2b: {  	s29 =	sshll.u32 s24, $0xF;
	[tilespmem:s28+$0x6400] =	vst v0;
	v0 =	vmul.f32 $8.000000000e+00, v1  }
0x2c: {  	s29 =	sadd.s32 s6, s29;
	[tilespmem:s28+$0x6410] =	vst v2;
	v1 =	vmul.f32 $8.000000000e+00, v3  }
0x2d: {  	s29 =	sshrl.u32 s29, $0x3;
	[tilespmem:s28+$0x6420] =	vst v0  }
0x2e: {  	[tilespmem:s28+$0x6430] =	vst v1;
	s28 =	sadd.s32 s2, s29  }
0x2f: {  	[hbm4b:s28+s3] =	stream.linear.scatter [tilespmem:s11], [sflag:$0x5], $0x2000, $0x38;
	[tilespmem:$0xE400] =	vst v63  }
0x30: {  	s28 =	simm.s32 @!p0 $0x8  }
0x31: {  	s26 =	sor.u32 $0x3, s26;
	_ =	swait.ge @!p0 [sflag:s28], $0x2000  }
0x32: {  	s29 =	sshll.u32 s26, $0x7;
	[sflag:s28] =	ssyncset.done @!p0 $0x0  }
0x33: {  	[sflag:s28] =	ssyncadd.s32 @!p0 $0xFFFFE000;
	s28 =	sand.u32 $0x3FFFFF80, s29  }
0x34: {  	[tilespmem:s15], [sflag:$0x4] =	stream.indirect.gather [hbm4b:s4+s10], $0x40, s28, s10, $0xb8;
	[tilespmem:$0xE400] =	vst v63  }
0x35: {  	_ =	swait.ge [sflag:s16], $0x2000  }
0x36: {  	[sflag:s16] =	ssyncset.done $0x0  }
0x37: {  	s28 =	simm.s32 $0x0;
	[sflag:s16] =	ssyncadd.s32 $0xFFFFE000  }
0x38: {  	v0 =	vld [tilespmem:s28+$0x8400]  }
0x39: {  	v2 =	vld [tilespmem:s28+$0x8410]  }
0x3a: {  	s29 =	simm.s32 $0x100;
	v1 =	vld [tilespmem:s28+$0x8420]  }
.LBB2_5:
0x3b: {  	p0 =	sne.s32 s29, $0x7F00;
	v3 =	vld [tilespmem:s28+$0x8430];
	_ =	sdelay $0x1  }
0x3c: {  	v0 =	vmul.f32 $8.000000000e+00, v0  }
.Ltmp1:
0x3d: {  	v2 =	vmul.f32 $8.000000000e+00, v2;
	(pc) =	sbr.rel @p0 .LBB2_5-.Ltmp1, $4  }
0x3e: {  	s30 =	sshra.s32 s29, $0x2;
	[tilespmem:s28+$0x8400] =	vst v0;
	v1 =	vmul.f32 $8.000000000e+00, v1  }
0x3f: {  	v0 =	vld [tilespmem:s30+$0x8400];
	[tilespmem:s28+$0x8410] =	vst v2;
	v3 =	vmul.f32 $8.000000000e+00, v3  }
0x40: {  	v2 =	vld [tilespmem:s30+$0x8410];
	[tilespmem:s28+$0x8420] =	vst v1  }
0x41: {  	s29 =	sadd.s32 $0x100, s29;
	v1 =	vld [tilespmem:s30+$0x8420];
	[tilespmem:s28+$0x8430] =	vst v3;
	s28 =	smov.u32 s30  }
0x42: {  	v3 =	vld [tilespmem:s28+$0x8430];
	_ =	sdelay $0x1  }
0x43: {  	v0 =	vmul.f32 $8.000000000e+00, v0  }
0x44: {  	v2 =	vmul.f32 $8.000000000e+00, v2  }
0x45: {  	[tilespmem:s28+$0x8400] =	vst v0;
	v0 =	vmul.f32 $8.000000000e+00, v1  }
0x46: {  	[tilespmem:s28+$0x8410] =	vst v2;
	v1 =	vmul.f32 $8.000000000e+00, v3  }
0x47: {  	s29 =	sshll.u32 s24, $0xC;
	[tilespmem:s28+$0x8420] =	vst v0  }
0x48: {  	p0 =	seq.s32 s24, $0x31;
	[tilespmem:s28+$0x8430] =	vst v1;
	s28 =	sadd.s32 s8, s29  }
0x49: {  	[hbm4b:s28+s3] =	stream.linear.scatter [tilespmem:s12], [sflag:$0x6], $0x2000, $0x38;
	[tilespmem:$0xE400] =	vst v63  }
0x4a: {  	s28 =	simm.s32 @!p0 $0x5  }
0x4b: {  	_ =	swait.ge @!p0 [sflag:s28], $0x2000  }
0x4c: {  	s29 =	sshll.u32 @!p0 s24, $0x9;
	[sflag:s28] =	ssyncset.done @!p0 $0x0  }
0x4d: {  	[sflag:s28] =	ssyncadd.s32 @!p0 $0xFFFFE000;
	s28 =	sand.u32 @!p0 $0x3FFFFE00, s29  }
0x4e: {  	s30 =	simm.s32 @!p0 $0x80;
	s31 =	simm.s32 @!p0 $0x6400;
	s29 =	sadd.s32 @!p0 $0x200, s28  }
0x4f: {  	[tilespmem:s31], [sflag:$0x1] =	stream.indirect.gather @!p0 [hbm4b:s4+s30], $0x40, s29, s30, $0xb8;
	[tilespmem:$0xE400] =	vst v63  }
0x50: {  	_ =	swait.ge [sflag:s17], $0x2000  }
0x51: {  	[sflag:s17] =	ssyncset.done $0x0  }
0x52: {  	s29 =	simm.s32 $0x0;
	[sflag:s17] =	ssyncadd.s32 $0xFFFFE000  }
0x53: {  	v0 =	vld [tilespmem:s29+$0xA400]  }
0x54: {  	v2 =	vld [tilespmem:s29+$0xA410]  }
0x55: {  	s30 =	simm.s32 $0x100;
	v1 =	vld [tilespmem:s29+$0xA420]  }
.LBB2_7:
0x56: {  	p1 =	sne.s32 s30, $0x7F00;
	v3 =	vld [tilespmem:s29+$0xA430];
	_ =	sdelay $0x1  }
0x57: {  	v0 =	vmul.f32 $8.000000000e+00, v0  }
.Ltmp2:
0x58: {  	v2 =	vmul.f32 $8.000000000e+00, v2;
	(pc) =	sbr.rel @p1 .LBB2_7-.Ltmp2, $4  }
0x59: {  	s31 =	sshra.s32 s30, $0x2;
	[tilespmem:s29+$0xA400] =	vst v0;
	v1 =	vmul.f32 $8.000000000e+00, v1  }
0x5a: {  	v0 =	vld [tilespmem:s31+$0xA400];
	[tilespmem:s29+$0xA410] =	vst v2;
	v3 =	vmul.f32 $8.000000000e+00, v3  }
0x5b: {  	v2 =	vld [tilespmem:s31+$0xA410];
	[tilespmem:s29+$0xA420] =	vst v1  }
0x5c: {  	s30 =	sadd.s32 $0x100, s30;
	v1 =	vld [tilespmem:s31+$0xA420];
	[tilespmem:s29+$0xA430] =	vst v3;
	s29 =	smov.u32 s31  }
0x5d: {  	v3 =	vld [tilespmem:s29+$0xA430];
	_ =	sdelay $0x1  }
0x5e: {  	v0 =	vmul.f32 $8.000000000e+00, v0  }
0x5f: {  	v2 =	vmul.f32 $8.000000000e+00, v2  }
0x60: {  	s25 =	sshll.u32 s25, $0xD;
	[tilespmem:s29+$0xA400] =	vst v0;
	v0 =	vmul.f32 $8.000000000e+00, v1  }
0x61: {  	s25 =	sadd.s32 s6, s25;
	[tilespmem:s29+$0xA410] =	vst v2;
	v1 =	vmul.f32 $8.000000000e+00, v3  }
0x62: {  	s25 =	sshrl.u32 s25, $0x3;
	[tilespmem:s29+$0xA420] =	vst v0  }
0x63: {  	s25 =	sadd.s32 s2, s25;
	[tilespmem:s29+$0xA430] =	vst v1  }
0x64: {  	[hbm4b:s25+s3] =	stream.linear.scatter [tilespmem:s13], [sflag:$0x7], $0x2000, $0x38;
	[tilespmem:$0xE400] =	vst v63  }
0x65: {  	s25 =	simm.s32 @!p0 $0x6  }
0x66: {  	_ =	swait.ge @!p0 [sflag:s25], $0x2000  }
0x67: {  	s29 =	simm.s32 @!p0 $0x8400;
	[sflag:s25] =	ssyncset.done @!p0 $0x0  }
0x68: {  	[sflag:s25] =	ssyncadd.s32 @!p0 $0xFFFFE000;
	s25 =	sadd.s32 @!p0 $0x280, s28;
	s28 =	simm.s32 @!p0 $0x80  }
0x69: {  	[tilespmem:s29], [sflag:$0x2] =	stream.indirect.gather @!p0 [hbm4b:s4+s28], $0x40, s25, s28, $0xb8;
	[tilespmem:$0xE400] =	vst v63  }
0x6a: {  	_ =	swait.ge [sflag:s18], $0x2000  }
0x6b: {  	[sflag:s18] =	ssyncset.done $0x0  }
0x6c: {  	s25 =	simm.s32 $0x0;
	[sflag:s18] =	ssyncadd.s32 $0xFFFFE000  }
0x6d: {  	v0 =	vld [tilespmem:s25+$0xC400]  }
0x6e: {  	v2 =	vld [tilespmem:s25+$0xC410]  }
0x6f: {  	s28 =	simm.s32 $0x100;
	v1 =	vld [tilespmem:s25+$0xC420]  }
.LBB2_9:
0x70: {  	p0 =	sne.s32 s28, $0x7F00;
	v3 =	vld [tilespmem:s25+$0xC430];
	_ =	sdelay $0x1  }
0x71: {  	v0 =	vmul.f32 $8.000000000e+00, v0  }
.Ltmp3:
0x72: {  	v2 =	vmul.f32 $8.000000000e+00, v2;
	(pc) =	sbr.rel @p0 .LBB2_9-.Ltmp3, $4  }
0x73: {  	s29 =	sshra.s32 s28, $0x2;
	[tilespmem:s25+$0xC400] =	vst v0;
	v1 =	vmul.f32 $8.000000000e+00, v1  }
0x74: {  	v0 =	vld [tilespmem:s29+$0xC400];
	[tilespmem:s25+$0xC410] =	vst v2;
	v3 =	vmul.f32 $8.000000000e+00, v3  }
0x75: {  	v2 =	vld [tilespmem:s29+$0xC410];
	[tilespmem:s25+$0xC420] =	vst v1  }
0x76: {  	s28 =	sadd.s32 $0x100, s28;
	v1 =	vld [tilespmem:s29+$0xC420];
	[tilespmem:s25+$0xC430] =	vst v3;
	s25 =	smov.u32 s29  }
0x77: {  	v3 =	vld [tilespmem:s25+$0xC430];
	_ =	sdelay $0x1  }
0x78: {  	s24 =	sadd.s32 $0x1, s24;
	v0 =	vmul.f32 $8.000000000e+00, v0  }
0x79: {  	p0 =	sne.s32 s24, $0x32;
	v2 =	vmul.f32 $8.000000000e+00, v2  }
.Ltmp4:
0x7a: {  	s26 =	sshll.u32 s26, $0xD;
	[tilespmem:s25+$0xC400] =	vst v0;
	v62 =	vmul.f32 $8.000000000e+00, v1;
	(pc) =	sbr.rel @p0 .LBB2_2-.Ltmp4, $4  }
0x7b: {  	s26 =	sadd.s32 s6, s26;
	[tilespmem:s25+$0xC410] =	vst v2;
	v63 =	vmul.f32 $8.000000000e+00, v3  }
0x7c: {  	s26 =	sshrl.u32 s26, $0x3;
	[tilespmem:s25+$0xC420] =	vst v62  }
0x7d: {  	s31 =	sadd.s32 s2, s26;
	[tilespmem:s25+$0xC430] =	vst v63  }
0x7e: {  	[hbm4b:s31+s3] =	stream.linear.scatter [tilespmem:s15], [sflag:$0x8], $0x2000, $0x38;
	[tilespmem:$0xE400] =	vst v63  }
0x7f: {  	_ =	swait.ge [sflag:s19], $0x2000  }
0x80: {  	[sflag:s19] =	ssyncset.done $0x0  }
0x81: {  	[sflag:s19] =	ssyncadd.s32 $0xFFFFE000  }
0x82: {  	_ =	swait.ge [sflag:s20], $0x2000  }
0x83: {  	[sflag:s20] =	ssyncset.done $0x0  }
0x84: {  	s23 =	sadd.s32 $0x1, s23;
	[sflag:s20] =	ssyncadd.s32 $0xFFFFE000  }
0x85: {  	p0 =	sne.s32 s23, s7;
	_ =	swait.ge [sflag:s21], $0x2000  }
.Ltmp5:
0x86: {  	[sflag:s21] =	ssyncset.done $0x0;
	(pc) =	sbr.rel @p0 .LBB2_1-.Ltmp5, $4  }
0x87: {  	[sflag:s21] =	ssyncadd.s32 $0xFFFFE000  }
0x88: {  	_ =	swait.ge [sflag:s22], $0x2000  }
0x89: {  	[sflag:s22] =	ssyncset.done $0x0  }
0x8a: {  	[sflag:s22] =	ssyncadd.s32 $0xFFFFE000  }
0x8b: {  	_ =	sfence.sel $0x180000  }
0x8c: {  	[bflag:$0x0] =	sbarrier.arrive $0xFFFF  }
0x8d: {  	p0 =	sne.s32 s0, $0x0;
	_ =	strace $0x90000047  }
0x8e: {  	s0 =	sadd.s32 @!p0 $0x100000, s1;
	[bflag:$0x2] =	sbarrier.arrive $0xFFFF  }
0x8f: {  	[sflag:s0] =	ssyncadd.tile.s32 @!p0 $0x1;
	_ =	shalt  }
.Lfunc_end2:
_tile_overlayer_lowered:
.L_overlay_start_2:
0x90: {  	(tag) =	ssettag $0x2  }
0x91: {  	s0 =	rddreg [dreg:$0x0];
	s2 =	stileid.u32  }
0x92: {  	s1 =	rddreg [dreg:$0x1];
	p0 =	sne.s32 s2, $0x0  }
0x93: {  	s3 =	rddreg [dreg:$0x2];
	[bflag:$0x3] =	sbarrier.arrive $0xFFFF;
	s2 =	simm.s32 @!p0 $0x1C09  }
0x94: {  	[timem:s3], [sflag:s2] =	dma.local @!p0 [hbm:s0], s1  }
0x95: {  	s0 =	simm.s32 @!p0 $0x9  }
0x96: {  	_ =	swait.ge @!p0 [sflag:s0], s1  }
0x97: {  	s1 =	ssub.s32 @!p0 $0x0, s1;
	[sflag:s0] =	ssyncset.done @!p0 $0x0  }
0x98: {  	[sflag:s0] =	ssyncadd.s32 @!p0 s1  }
0x99: {  	[bflag:$0x3] =	sbarrier.arrive $0xFFFF  }
0x9a: {  	_ =	shalt  }

// kernel: sparse-core-data-format-call.cloned.1.call-start
scs
called_computation_lowered:
.L_overlay_start_0:
0x0: {  	s2 =	sld [smem:$0x3FD9]  }
0x1: {  	s3 =	sld [smem:$0x3FFE];
	_ =	sdelay $0x1  }
0x2: {  	s1 =	srdreg.scid  }
0x3: {  	s0 =	sand.u32 $0x1, s1  }
0x4: {  	s18 =	sshll.u32 s0, $0xA;
	s2 =	sadd.s32 s3, s2  }
0x5: {  	s2 =	sadd.s32 s2, s18  }
0x6: {  	[smem:$0x3FC6] =	sst s2  }
0x7: {  	_ = 	snop  }
0x8: {  	s2 =	sld [smem:$0x3FD0];
	(tm) =	ssettm $0x1  }
0x9: {  	s19 =	sld [smem:$0x3FFB];
	_ =	sdelay $0x3  }
0xa: {  	_ =	strace s19  }
0xb: {  	s3 =	sld [smem:$0x3FFC];
	_ =	sdelay $0x3  }
0xc: {  	_ =	strace s3  }
0xd: {  	s3 =	sld [smem:$0x3FFD];
	_ =	sdelay $0x3  }
0xe: {  	_ =	strace s3  }
0xf: {  	_ =	strace $0x8FFFFFFF  }
0x10: {  	s20 =	sld [smem:$0x3FDB];
	_ =	sdelay $0x1  }
0x11: {  	s4 =	simm.s32 $_scs_section_size  }
0x12: {  	s5 =	simm.s32 $_size__tile_overlayer_lowered;
	s6 =	simm.s32 $_tile_overlayer_lowered  }
0x13: {  	s23 =	simm.s32 $0x1BFF;
	s22 =	sshll.u32 s6, $0x1;
	s3 =	sadd.s32 s4, s20  }
0x14: {  	s7 =	simm.s32 $0x0;
	s21 =	sshll.u32 s5, $0x1;
	s5 =	sadd.s32 s22, s3  }
0x15: {  	[timem:s7], [sflag:s23] =	dma.local [hbm:s5], s21  }
0x16: {  	_ =	swait.ge [sflag:s23], s21  }
0x17: {  	s4 =	ssub.s32 $0x0, s21;
	[sflag:s23] =	ssyncset.done $0x0  }
0x18: {  	[sflag:s23] =	ssyncadd.s32 s4;
	_ =	sdelay $0x1  }
0x19: {  	s24 =	simm.s32 $0x1B8B  }
0x1a: {  	_ =	swait.ge [sflag:s24], $0x1  }
0x1b: {  	[sflag:s24] =	ssyncset.done $0x0  }
0x1c: {  	s26 =	simm.s32 $0x1B8E;
	s25 =	sld [smem:$0x3FFE];
	[sflag:s24] =	ssyncadd.s32 $0xFFFFFFFF  }
0x1d: {  	s27 =	simm.s32 $execute0_lowered;
	[smem:$0x3FD2] =	sst s26  }
0x1e: {  	s5 =	sshll.u32 s27, $0x1;
	_ =	strace $0x80000049;
	[dreg:$0x1] =	wrdreg $0xFFFFFFFF  }
0x1f: {  	s28 =	simm.s32 $_size_execute0_lowered;
	s3 =	sadd.s32 s3, s5;
	[dreg:$0x0] =	wrdreg $0x0  }
0x20: {  	s5 =	sshll.u32 s28, $0x1;
	[dreg:$0x2] =	wrdreg s3  }
0x21: {  	[dreg:$0x3] =	wrdreg s5  }
0x22: {  	[dreg:$0x4] =	wrdreg $0xC0  }
0x23: {  	_ =	task [dreg:s7], $0x5FFFF  }
0x24: {  	[dreg:$0x1] =	wrdreg $0xFFFFFFFF  }
0x25: {  	[dreg:$0x0] =	wrdreg $0x60  }
0x26: {  	[dreg:$0x2] =	wrdreg s25  }
0x27: {  	[dreg:$0x3] =	wrdreg s2  }
0x28: {  	[dreg:$0x4] =	wrdreg $0x9  }
0x29: {  	_ =	task.clear_ibuf [dreg:s7], $0x5FFFF;
	_ =	strace $0x90000049  }
0x2a: {  	s29 =	simm.s32 $0x9;
	_ =	strace $0x8000004B  }
0x2b: {  	_ =	swait.ge [sflag:s29], $0x1  }
0x2c: {  	[sflag:s29] =	ssyncadd.s32 $0xFFFFFFFF  }
0x2d: {  	_ =	strace $0x9000004B  }
0x2e: {  	_ =	sfence  }
0x2f: {  	s30 =	sld [smem:$0x0];
	_ =	sdelay $0x2  }
0x30: {  	s31 =	sshll.u32 s1, $0xD;
	s1 =	sshrl.u32 s1, $0x2  }
0x31: {  	s3 =	sand.u32 $0x4000, s31;
	s1 =	sadd.s32 s1, s30  }
0x32: {  	s0 =	sor.u32 s3, s0;
	s1 =	sshll.u32 s1, $0x11  }
0x33: {  	s0 =	sor.u32 s1, s0  }
0x34: {  	s0 =	sadd.s32 $0x8F2B, s0  }
0x35: {  	[sflag:s0] =	ssyncadd.remote.s32 $0x1  }
0x36: {  	_ =	sfence.sel $0xFFFF  }
0x37: {  	[dreg:$0x0] =	wrdreg $0xFFFFFFFF;
	(pc) =	sbr.abs _section_cstart, $3  }
0x38: {  	[dreg:$0x1] =	wrdreg $0xFFFFFFFF  }
0x39: {  	_ =	task.clear_ibuf [dreg:s7], $0x2FFFF;
	_ =	strace $0x9FFFFFFF  }
0x3a: {  	(tm) =	ssettm $0x7FFFFFFF  }
0x3b: {  	_ =	shalt  }
tec
execute0_lowered:
.L_overlay_start_1:
0x0: {  	(tag) =	ssettag $0x1  }
0x1: {  	s0 =	srdreg.scid  }
0x2: {  	s1 =	sshll.u32 s0, $0x4  }
0x3: {  	s0 =	stileid.u32;
	s1 =	sand.u32 $0x10, s1  }
0x4: {  	s1 =	sor.u32 s0, s1  }
0x5: {  	s6 =	rddreg [dreg:$0x0];
	s4 =	simm.s32 $0x1;
	s2 =	sshll.u32 s1, $0x7  }
0x6: {  	s7 =	simm.s32 $0x2;
	s12 =	simm.s32 $0x0;
	s1 =	ssub.s32 $0x1000, s2  }
0x7: {  	s8 =	simm.s32 $0x8000;
	s13 =	simm.s32 $0x0;
	s3 =	sand.u32 $0xF80, s1  }
0x8: {  	s9 =	simm.s32 $0x0;
	s5 =	sshrl.u32 s1, $0xC;
	p0 =	sne.s32 s3, $0x0  }
.Ltmp0:
0x9: {  	s1 =	rddreg [dreg:$0x2];
	s4 =	simm.s32 @!p0 $0x0;
	(pc) =	sbr.rel .LBB1_1-.Ltmp0, $4  }
0xa: {  	s11 =	simm.s32 $0x0;
	s3 =	rddreg [dreg:$0x1];
	s5 =	sadd.s32 s4, s5  }
0xb: {  	_ =	strace $0x8000004A;
	s4 =	simm.s32 $0x1;
	s5 =	smul.u32 $0xC8, s5  }
0xc: {  	s6 =	sadd.s32 $0xA00, s6;
	s10 =	smov.u32 s2;
	[sflag:s4] =	ssyncpa.u1 $0x0  }
0xd: {  	p0 =	por $0x0, $0x0;
	[sflag:s7] =	ssyncpa.u1 $0x0;
	s7 =	sor.u32 $0x1, s5  }
.LBB1_4:
0xe: {  	s16 =	sshll.u32 s13, $0x3;
	s17 =	sand.u32 $0x78, s13  }
0xf: {  	s30 =	sand.u32 $0x7E00, s13;
	s12 =	sshll.u32 s12, $0xF;
	s16 =	sand.u32 $0xC00, s16  }
0x10: {  	[tilespmem:s15+$0x810 ss:$0x81] =	vst.msk $0xffff, v2;
	s31 =	sand.u32 $0x7, s13;
	s16 =	sor.u32 s17, s16;
	s17 =	sadd.s32 s3, s30  }
0x11: {  	[tilespmem:s15+$0x1020 ss:$0x81] =	vst.msk $0xffff, v0;
	s13 =	sshll.u32 s31, $0x12;
	s12 =	sadd.s32 s12, s17;
	s16 =	sshrl.u32 s16, $0x3  }
0x12: {  	[tilespmem:s15+$0x0 ss:$0x81] =	vst.msk $0xffff, v1;
	s13 =	sor.u32 $0x400, s13;
	s12 =	sadd.s32 s16, s12  }
0x13: {  	[hbm4b:s12+s13] =	stream.strided.scatter [tilespmem:s14], [sflag:$0x2], $0x2000, s8, s13, $0x20;
	[tilespmem:$0x8080] =	vst v63  }
.LBB1_5:
0x14: {  	s14 =	sadd.s32 $0x1, s9  }
0x15: {  	s12 =	sadd.s32 $0x1000, s10;
	s16 =	smov.u32 s10;
	p2 =	sgt.s32 s14, $0xC7  }
0x16: {  	s16 =	smov.u32 @p2 s12  }
0x17: {  	s14 =	simm.s32 @p2 $0x0;
	p2 =	sgt.s32 s16, $0xFFF  }
0x18: {  	s16 =	smov.u32 @p2 s2;
	p2 =	sne.s32 s11, s7  }
.Ltmp1:
0x19: {  	p1 =	slt.u32 s11, $0x2;
	(pc) =	sbr.rel @!p2 .LBB1_6-.Ltmp1, $4  }
0x1a: {  	s15 =	simm.s32 @!p1 $0x2  }
0x1b: {  	s13 =	smov.u32 s10;
	p0 =	por !p0, !p0;
	_ =	swait.ge @!p1 [sflag:s15], $0x2000  }
0x1c: {  	s12 =	smov.u32 s9;
	[sflag:s15] =	ssyncset.done @!p1 $0x0;
	s9 =	smov.u32 s14  }
0x1d: {  	s11 =	sadd.s32 $0x1, s11;
	[sflag:s15] =	ssyncadd.s32 @!p1 $0xFFFFE000;
	s10 =	smov.u32 s16  }
.LBB1_1:
0x1e: {  	p1 =	sge.u32 s11, s5  }
0x1f: {  	s14 =	sand.u32 @!p1 $0x1FFFFFF, s9  }
0x20: {  	s15 =	smulhi.u32 @!p1 $0x147AE15, s14;
	_ =	sdelay $0x1  }
0x21: {  	s15 =	smul.u32 @!p1 $0xC8, s15  }
0x22: {  	s16 =	sxor.u32 @!p1 $0xFFFFFFFF, s11;
	s17 =	smul.u32 @!p1 $0xC80, s10  }
0x23: {  	s31 =	sadd.s32 $0xFFFFFFFF, s11;
	s16 =	sshll.u32 @!p1 s16, $0xD;
	s14 =	ssub.s32 @!p1 s14, s15  }
0x24: {  	s15 =	sand.u32 @!p1 $0x2000, s16;
	s16 =	sadd.s32 @!p1 s6, s17;
	s14 =	sshll.u32 @!p1 s14, $0x4  }
0x25: {  	s17 =	simm.s32 @!p1 $0x6400;
	s14 =	sadd.s32 @!p1 s14, s16;
	s16 =	simm.s32 @!p1 $0x40  }
0x26: {  	[tilespmem:s15], [sflag:$0x1] =	stream.strided.gather @!p1 [hbm4b:s14+s16], $0x2000, s17, s16, $0x38;
	[tilespmem:$0x8080] =	vst v63  }
0x27: {  	p1 =	sge.u32 s31, s5  }
.Ltmp2:
0x28: {  	_ = 	snop;
	(pc) =	sbr.rel @p1 .LBB1_5-.Ltmp2, $1  }
0x29: {  	_ =	sdelay $0x3  }
0x2a: {  	s14 =	simm.s32 $0x1  }
0x2b: {  	_ =	swait.ge [sflag:s4], $0x2000;
	s14 =	simm.s32 @!p0 $0x0  }
0x2c: {  	[sflag:s4] =	ssyncset.done $0x0;
	s15 =	sshll.u32 s14, $0xD  }
0x2d: {  	[sflag:s4] =	ssyncadd.s32 $0xFFFFE000;
	s18 =	sor.u32 $0x20, s15  }
0x2e: {  	s14 =	smul.u32 $0x8100, s14;
	v3 =	vld [tilespmem:s18+$0x10]  }
0x2f: {  	s30 =	sand.u32 $0x1, s11;
	v2 =	vld [tilespmem:s18+$0xFFFFFFF0]  }
0x30: {  	s15 =	smul.u32 $0x8100, s30;
	s14 =	sshrl.u32 s14, $0x2;
	v0 =	vld [tilespmem:s18+$0x0]  }
0x31: {  	v1 =	vld [tilespmem:s18+$0xFFFFFFE0];
	s16 =	sor.u32 $0x4000, s14  }
0x32: {  	s31 =	sshrl.u32 s15, $0x2;
	s15 =	sadd.s32 $0x0, s16  }
0x33: {  	s17 =	simm.s32 $0x4;
	s18 =	sadd.s32 $0x40, s18;
	s14 =	sor.u32 $0x4000, s31;
	[tilespmem:s15+$0x1830 ss:$0x81] =	vst.msk $0xffff, v3  }
.LBB1_3:
0x34: {  	v3 =	vld [tilespmem:s18+$0x10];
	p1 =	sne.s32 s17, $0x1FC;
	[tilespmem:s15+$0x810 ss:$0x81] =	vst.msk $0xffff, v2;
	s19 =	smov.u32 s17;
	s17 =	sadd.s32 $0x4, s17  }
.Ltmp3:
0x35: {  	v2 =	vld [tilespmem:s18+$0xFFFFFFF0];
	[tilespmem:s15+$0x1020 ss:$0x81] =	vst.msk $0xffff, v0;
	(pc) =	sbr.rel @p1 .LBB1_3-.Ltmp3, $4  }
0x36: {  	v0 =	vld [tilespmem:s18+$0x0];
	[tilespmem:s15+$0x0 ss:$0x81] =	vst.msk $0xffff, v1  }
0x37: {  	s15 =	sshra.s32 s19, $0x2;
	v1 =	vld [tilespmem:s18+$0xFFFFFFE0]  }
0x38: {  	s15 =	sadd.s32 s15, s16  }
0x39: {  	s18 =	sadd.s32 $0x40, s18;
	[tilespmem:s15+$0x1830 ss:$0x81] =	vst.msk $0xffff, v3  }
.Ltmp4:
0x3a: {  	_ = 	snop;
	(pc) =	sbr.rel .LBB1_4-.Ltmp4, $1  }
0x3b: {  	_ =	sdelay $0x3  }
.LBB1_6:
0x3c: {  	_ =	sfence.sel $0x180000  }
0x3d: {  	s2 =	simm.s32 $0x1;
	[bflag:$0x0] =	sbarrier.arrive $0xFFFF  }
0x3e: {  	s31 =	simm.s32 $0x2;
	[sflag:s2] =	ssyncpa.u1 $0x1  }
0x3f: {  	[sflag:s31] =	ssyncpa.u1 $0x1  }
0x40: {  	p0 =	sne.s32 s0, $0x0;
	_ =	strace $0x9000004A  }
0x41: {  	s0 =	sadd.s32 @!p0 $0x100000, s1;
	[bflag:$0x2] =	sbarrier.arrive $0xFFFF  }
0x42: {  	[sflag:s0] =	ssyncadd.tile.s32 @!p0 $0x1;
	_ =	shalt  }
.Lfunc_end1:
_tile_overlayer_lowered:
.L_overlay_start_2:
0x43: {  	(tag) =	ssettag $0x2  }
0x44: {  	s0 =	rddreg [dreg:$0x0];
	s2 =	stileid.u32  }
0x45: {  	s1 =	rddreg [dreg:$0x1];
	p0 =	sne.s32 s2, $0x0  }
0x46: {  	s3 =	rddreg [dreg:$0x2];
	[bflag:$0x3] =	sbarrier.arrive $0xFFFF;
	s2 =	simm.s32 @!p0 $0x1C01  }
0x47: {  	[timem:s3], [sflag:s2] =	dma.local @!p0 [hbm:s0], s1  }
0x48: {  	s0 =	simm.s32 @!p0 $0x1  }
0x49: {  	_ =	swait.ge @!p0 [sflag:s0], s1  }
0x4a: {  	s1 =	ssub.s32 @!p0 $0x0, s1;
	[sflag:s0] =	ssyncset.done @!p0 $0x0  }
0x4b: {  	[sflag:s0] =	ssyncadd.s32 @!p0 s1  }
0x4c: {  	[bflag:$0x3] =	sbarrier.arrive $0xFFFF  }
0x4d: {  	_ =	shalt  }

</sc_bundles>
